<compile_context>
chip_gen: v7x
topology: tpu7x:2x2x1
jax: 0.10.2.dev20260603
libtpu: 0.0.44.dev20260713+nightly
codegen_flags: <defaults>
</compile_context>

<pallas_src>
import jax
import jax.numpy as jnp
from jax import lax
from jax.experimental import pallas as pl
from jax.experimental.pallas import tpu as pltpu
from jax.experimental.pallas import tpu_sc as plsc

_B = 16384
_D = 32
_NC = 2
_NS = 16
_NW = _NC * _NS
_BW = _B // _NW
_GROUPS = _BW // 16


def _dot_sigmoid_kernel(x0_hbm, x1_hbm, u_hbm, m_hbm, wb_hbm, out_hbm,
                        idx_u, idx_m, u_rows, m_rows, out_v, wb_v,
                        sem_u, sem_m):
    wid = lax.axis_index("s") * _NC + lax.axis_index("c")
    base = wid * _BW

    pltpu.sync_copy(x0_hbm.at[pl.ds(base, _BW)], idx_u)
    pltpu.sync_copy(x1_hbm.at[pl.ds(base, _BW)], idx_m)
    pltpu.sync_copy(wb_hbm, wb_v)

    cu = pltpu.async_copy(u_hbm.at[idx_u], u_rows, sem_u)
    cm = pltpu.async_copy(m_hbm.at[idx_m], m_rows, sem_m)
    cu.wait()
    cm.wait()

    lanes = lax.iota(jnp.int32, 16)
    w = wb_v[pl.ds(0, 16)]
    b = wb_v[pl.ds(16, 16)]
    one = jnp.ones((16,), jnp.float32)

    def group_body(g, carry):
        rows = g * 16 + lanes
        acc0 = jnp.zeros((16,), jnp.float32)
        acc1 = jnp.zeros((16,), jnp.float32)
        acc2 = jnp.zeros((16,), jnp.float32)
        acc3 = jnp.zeros((16,), jnp.float32)
        accs = [acc0, acc1, acc2, acc3]
        for d in range(_D):
            col = jnp.full((16,), d, jnp.int32)
            uv = plsc.load_gather(u_rows, [rows, col])
            mv = plsc.load_gather(m_rows, [rows, col])
            accs[d % 4] = accs[d % 4] + uv * mv
        z = (accs[0] + accs[1]) + (accs[2] + accs[3])
        t = z * w + b
        r = one / (one + jnp.exp(-t))
        out_v[pl.ds(g * 16, 16)] = r
        return carry

    lax.fori_loop(0, _GROUPS, group_body, 0)

    pltpu.sync_copy(out_v, out_hbm.at[pl.ds(base, _BW)])


def kernel(x, u_table, m_table, fc_w, fc_b):
    x = x.astype(jnp.int32)
    x0 = x[0]
    x1 = x[1]
    wb = jnp.concatenate([
        jnp.broadcast_to(fc_w.reshape(-1)[:1], (16,)),
        jnp.broadcast_to(fc_b.reshape(-1)[:1], (16,)),
    ]).astype(jnp.float32)

    mesh = plsc.VectorSubcoreMesh(core_axis_name="c", subcore_axis_name="s")
    run = pl.kernel(
        _dot_sigmoid_kernel,
        out_type=jax.ShapeDtypeStruct((_B,), jnp.float32),
        mesh=mesh,
        compiler_params=pltpu.CompilerParams(
            needs_layout_passes=False, use_tc_tiling_on_sc=False
        ),
        scratch_types=[
            pltpu.VMEM((_BW,), jnp.int32),
            pltpu.VMEM((_BW,), jnp.int32),
            pltpu.VMEM((_BW, _D), jnp.float32),
            pltpu.VMEM((_BW, _D), jnp.float32),
            pltpu.VMEM((_BW,), jnp.float32),
            pltpu.VMEM((32,), jnp.float32),
            pltpu.SemaphoreType.DMA,
            pltpu.SemaphoreType.DMA,
        ],
    )
    out = run(x0, x1, u_table, m_table, wb)
    return out.reshape(_B, 1)

# --- scband reference (transcript-rebuilt; emitter-appended) ---
"""Pipeline reference for scband-user-floral-embedding-65747359367546 (READ-ONLY COPY).

The authoritative reference and input builder live on the scoring server;
editing this copy changes nothing except your own understanding.
"""

import jax, jax.numpy as jnp
import numpy as np

LEN_USERS = 1000000
LEN_FLORALS = 1000000
EMBED_DIM = 32
BATCH = 16384

def setup_inputs(seed: int = 0) -> dict:
    key = jax.random.key(seed)
    k1, k2, k3, k4 = jax.random.split(key, 4)
    x = jax.random.randint(k1, (2, BATCH), 0, LEN_USERS)
    u_table = jax.random.normal(k2, (LEN_USERS, EMBED_DIM), dtype=jnp.float32) * 0.05
    m_table = jax.random.normal(k3, (LEN_FLORALS, EMBED_DIM), dtype=jnp.float32) * 0.05
    fc_w = jax.random.normal(k4, (1, 1), dtype=jnp.float32)
    fc_b = jnp.zeros((1,), dtype=jnp.float32)
    return {"x": x, "u_table": u_table, "m_table": m_table, "fc_w": fc_w, "fc_b": fc_b}

def reference(x, u_table, m_table, fc_w, fc_b):
    # user embedding lookup: x[0] -> [B, D]
    uemb = jnp.take(u_table, x[0], axis=0)
    # floral embedding lookup: x[1] -> [B, D]
    memb = jnp.take(m_table, x[1], axis=0)
    # keras Dot(axes=1, normalize=False) on [memb, uemb] -> [B, 1]
    m_u = jnp.sum(memb * uemb, axis=1, keepdims=True)
    # Dense(1, activation='sigmoid')
    out = jax.nn.sigmoid(jnp.dot(m_u, fc_w) + fc_b)
    return out

if __name__ == "__main__":
    import jax
    _d = setup_inputs()
    print(jax.jit(kernel)(*tuple(_d.values())))

</pallas_src>

<mosaic_0001>
#map = affine_map<(d0, d1) -> (0)>
#map1 = affine_map<(d0, d1) -> (0, 0)>
module attributes {stable_mosaic.version = 14 : i64} {
  func.func @_dot_sigmoid_kernel(%arg0: i32, %arg1: i32, %arg2: memref<16384xi32, #tpu.memory_space<hbm>>, %arg3: memref<16384xi32, #tpu.memory_space<hbm>>, %arg4: memref<1000000x32xf32, #tpu.memory_space<hbm>>, %arg5: memref<1000000x32xf32, #tpu.memory_space<hbm>>, %arg6: memref<32xf32, #tpu.memory_space<hbm>>, %arg7: memref<16384xf32, #tpu.memory_space<hbm>>, %arg8: memref<512xi32, #tpu.memory_space<vmem>>, %arg9: memref<512xi32, #tpu.memory_space<vmem>>, %arg10: memref<512x32xf32, #tpu.memory_space<vmem>>, %arg11: memref<512x32xf32, #tpu.memory_space<vmem>>, %arg12: memref<512xf32, #tpu.memory_space<vmem>>, %arg13: memref<32xf32, #tpu.memory_space<vmem>>, %arg14: memref<!tpu.dma_semaphore, #tpu.memory_space<semaphore_mem>>, %arg15: memref<!tpu.dma_semaphore, #tpu.memory_space<semaphore_mem>>) attributes {dimension_semantics = [#tpu.dimension_semantics<core_parallel>, #tpu.dimension_semantics<subcore_parallel>], iteration_bounds = array<i64: 2, 16>, scalar_prefetch = 0 : i64, scratch_operands = 8 : i64, tpu.core_type = #tpu.core_type<sc_vector_subcore>, window_params = [{transform_indices = #map}, {transform_indices = #map}, {transform_indices = #map1}, {transform_indices = #map1}, {transform_indices = #map}, {transform_indices = #map}]} {
    %mul3A = arith.constant 2 : i32
    %mul3A_0 = arith.muli %arg1, %mul3A : i32
    %add3A = arith.addi %mul3A_0, %arg0 : i32
    %mul3A_1 = arith.constant 512 : i32
    %mul3A_2 = arith.muli %add3A, %mul3A_1 : i32
    "tpu.region"() ({
      %run_scoped3A = tpu.sem_alloc : memref<!tpu.dma_semaphore, #tpu.memory_space<semaphore_mem>>
      %dma_start3A_22 = tpu.memref_slice %arg2[%mul3A_2] : memref<16384xi32, #tpu.memory_space<hbm>> -> memref<512xi32, #tpu.memory_space<hbm>>
      %dma_start3A_23 = tpu.memref_slice %arg2[%mul3A_2] : memref<16384xi32, #tpu.memory_space<hbm>> -> memref<512xi32, #tpu.memory_space<hbm>>
      tpu.enqueue_dma source(%dma_start3A_23 : memref<512xi32, #tpu.memory_space<hbm>>) target(%arg8 : memref<512xi32, #tpu.memory_space<vmem>>) target_semaphore(%run_scoped3A : memref<!tpu.dma_semaphore, #tpu.memory_space<semaphore_mem>>)
      %dma_wait3A_24 = tpu.memref_slice %arg2[%mul3A_2] : memref<16384xi32, #tpu.memory_space<hbm>> -> memref<512xi32, #tpu.memory_space<hbm>>
      %dma_wait3A_25 = tpu.memref_slice %arg2[%mul3A_2] : memref<16384xi32, #tpu.memory_space<hbm>> -> memref<512xi32, #tpu.memory_space<hbm>>
      tpu.wait_dma2 semaphore(%run_scoped3A : memref<!tpu.dma_semaphore, #tpu.memory_space<semaphore_mem>>) src(%dma_wait3A_25 : memref<512xi32, #tpu.memory_space<hbm>>) dst(%arg8 : memref<512xi32, #tpu.memory_space<vmem>>)
      tpu.yield
    }) : () -> ()
    "tpu.region"() ({
      %run_scoped3A = tpu.sem_alloc : memref<!tpu.dma_semaphore, #tpu.memory_space<semaphore_mem>>
      %dma_start3A_22 = tpu.memref_slice %arg3[%mul3A_2] : memref<16384xi32, #tpu.memory_space<hbm>> -> memref<512xi32, #tpu.memory_space<hbm>>
      %dma_start3A_23 = tpu.memref_slice %arg3[%mul3A_2] : memref<16384xi32, #tpu.memory_space<hbm>> -> memref<512xi32, #tpu.memory_space<hbm>>
      tpu.enqueue_dma source(%dma_start3A_23 : memref<512xi32, #tpu.memory_space<hbm>>) target(%arg9 : memref<512xi32, #tpu.memory_space<vmem>>) target_semaphore(%run_scoped3A : memref<!tpu.dma_semaphore, #tpu.memory_space<semaphore_mem>>)
      %dma_wait3A_24 = tpu.memref_slice %arg3[%mul3A_2] : memref<16384xi32, #tpu.memory_space<hbm>> -> memref<512xi32, #tpu.memory_space<hbm>>
      %dma_wait3A_25 = tpu.memref_slice %arg3[%mul3A_2] : memref<16384xi32, #tpu.memory_space<hbm>> -> memref<512xi32, #tpu.memory_space<hbm>>
      tpu.wait_dma2 semaphore(%run_scoped3A : memref<!tpu.dma_semaphore, #tpu.memory_space<semaphore_mem>>) src(%dma_wait3A_25 : memref<512xi32, #tpu.memory_space<hbm>>) dst(%arg9 : memref<512xi32, #tpu.memory_space<vmem>>)
      tpu.yield
    }) : () -> ()
    "tpu.region"() ({
      %run_scoped3A = tpu.sem_alloc : memref<!tpu.dma_semaphore, #tpu.memory_space<semaphore_mem>>
      tpu.enqueue_dma source(%arg6 : memref<32xf32, #tpu.memory_space<hbm>>) target(%arg13 : memref<32xf32, #tpu.memory_space<vmem>>) target_semaphore(%run_scoped3A : memref<!tpu.dma_semaphore, #tpu.memory_space<semaphore_mem>>)
      tpu.wait_dma2 semaphore(%run_scoped3A : memref<!tpu.dma_semaphore, #tpu.memory_space<semaphore_mem>>) src(%arg6 : memref<32xf32, #tpu.memory_space<hbm>>) dst(%arg13 : memref<32xf32, #tpu.memory_space<vmem>>)
      tpu.yield
    }) : () -> ()
    %dma_start3A = arith.constant 0 : i32
    %dma_start3A_3 = arith.constant 0 : i32
    %dma_start3A_4 = tpu.memref_slice %arg4[%dma_start3A, %dma_start3A_3] : memref<1000000x32xf32, #tpu.memory_space<hbm>> -> memref<1000000x32xf32, #tpu.memory_space<hbm>>
    tpu.enqueue_indirect_dma source(%dma_start3A_4 : memref<1000000x32xf32, #tpu.memory_space<hbm>>) target(%arg10 : memref<512x32xf32, #tpu.memory_space<vmem>>) offsets(%arg8 : memref<512xi32, #tpu.memory_space<vmem>>) semaphore(%arg14 : memref<!tpu.dma_semaphore, #tpu.memory_space<semaphore_mem>>)
    %dma_start3A_5 = arith.constant 0 : i32
    %dma_start3A_6 = arith.constant 0 : i32
    %dma_start3A_7 = tpu.memref_slice %arg5[%dma_start3A_5, %dma_start3A_6] : memref<1000000x32xf32, #tpu.memory_space<hbm>> -> memref<1000000x32xf32, #tpu.memory_space<hbm>>
    tpu.enqueue_indirect_dma source(%dma_start3A_7 : memref<1000000x32xf32, #tpu.memory_space<hbm>>) target(%arg11 : memref<512x32xf32, #tpu.memory_space<vmem>>) offsets(%arg9 : memref<512xi32, #tpu.memory_space<vmem>>) semaphore(%arg15 : memref<!tpu.dma_semaphore, #tpu.memory_space<semaphore_mem>>)
    %dma_wait3A = arith.constant 0 : i32
    %dma_wait3A_8 = arith.constant 0 : i32
    %dma_wait3A_9 = tpu.memref_slice %arg4[%dma_wait3A, %dma_wait3A_8] : memref<1000000x32xf32, #tpu.memory_space<hbm>> -> memref<1000000x32xf32, #tpu.memory_space<hbm>>
    tpu.wait_indirect_dma semaphore(%arg14 : memref<!tpu.dma_semaphore, #tpu.memory_space<semaphore_mem>>) src(%dma_wait3A_9 : memref<1000000x32xf32, #tpu.memory_space<hbm>>) dst(%arg10 : memref<512x32xf32, #tpu.memory_space<vmem>>)
    %dma_wait3A_10 = arith.constant 0 : i32
    %dma_wait3A_11 = arith.constant 0 : i32
    %dma_wait3A_12 = tpu.memref_slice %arg5[%dma_wait3A_10, %dma_wait3A_11] : memref<1000000x32xf32, #tpu.memory_space<hbm>> -> memref<1000000x32xf32, #tpu.memory_space<hbm>>
    tpu.wait_indirect_dma semaphore(%arg15 : memref<!tpu.dma_semaphore, #tpu.memory_space<semaphore_mem>>) src(%dma_wait3A_12 : memref<1000000x32xf32, #tpu.memory_space<hbm>>) dst(%arg11 : memref<512x32xf32, #tpu.memory_space<vmem>>)
    %iota3A = tpu.iota {dimensions = array<i32: 0>} : vector<16xi32>
    %get3A = arith.constant 0 : index
    %get3A_13 = tpu.vector_load %arg13[%get3A] {strides = array<i32>} : memref<32xf32, #tpu.memory_space<vmem>>, vector<16xf32>,
    %get3A_14 = arith.constant 16 : index
    %get3A_15 = tpu.vector_load %arg13[%get3A_14] {strides = array<i32>} : memref<32xf32, #tpu.memory_space<vmem>>, vector<16xf32>,
    %broadcast_in_dim3A = arith.constant 1.000000e+00 : f32
    %broadcast_in_dim3A_16 = vector.broadcast %broadcast_in_dim3A : f32 to vector<16xf32>
    %scan3A = arith.constant 0 : i32
    %scan3A_17 = arith.constant 0 : i32
    %scan3A_18 = arith.constant 32 : i32
    %scan3A_19 = arith.addi %scan3A_17, %scan3A_18 : i32
    %scan3A_20 = arith.constant 1 : i32
    scf.for %scan3A_22 = %scan3A_17 to %scan3A_19 step %scan3A_20  : i32 {
      %mul3A_23 = arith.constant 16 : i32
      %mul3A_24 = arith.muli %scan3A_22, %mul3A_23 : i32
      %add3A_25 = vector.broadcast %mul3A_24 : i32 to vector<16xi32>
      %add3A_26 = arith.addi %add3A_25, %iota3A : vector<16xi32>
      %broadcast_in_dim3A_27 = arith.constant 0.000000e+00 : f32
      %broadcast_in_dim3A_28 = vector.broadcast %broadcast_in_dim3A_27 : f32 to vector<16xf32>
      %broadcast_in_dim3A_29 = arith.constant 0.000000e+00 : f32
      %broadcast_in_dim3A_30 = vector.broadcast %broadcast_in_dim3A_29 : f32 to vector<16xf32>
      %broadcast_in_dim3A_31 = arith.constant 0.000000e+00 : f32
      %broadcast_in_dim3A_32 = vector.broadcast %broadcast_in_dim3A_31 : f32 to vector<16xf32>
      %broadcast_in_dim3A_33 = arith.constant 0.000000e+00 : f32
      %broadcast_in_dim3A_34 = vector.broadcast %broadcast_in_dim3A_33 : f32 to vector<16xf32>
      %broadcast_in_dim3A_35 = arith.constant 0 : i32
      %broadcast_in_dim3A_36 = vector.broadcast %broadcast_in_dim3A_35 : i32 to vector<16xi32>
      %gather3A = tpu.vector_load_idx %arg10[%add3A_26, %broadcast_in_dim3A_36] : memref<512x32xf32, #tpu.memory_space<vmem>>[vector<16xi32>, vector<16xi32>], vector<16xf32>,
      %gather3A_37 = tpu.vector_load_idx %arg11[%add3A_26, %broadcast_in_dim3A_36] : memref<512x32xf32, #tpu.memory_space<vmem>>[vector<16xi32>, vector<16xi32>], vector<16xf32>,
      %mul3A_38 = arith.mulf %gather3A, %gather3A_37 : vector<16xf32>
      %add3A_39 = arith.addf %broadcast_in_dim3A_28, %mul3A_38 : vector<16xf32>
      %broadcast_in_dim3A_40 = arith.constant 1 : i32
      %broadcast_in_dim3A_41 = vector.broadcast %broadcast_in_dim3A_40 : i32 to vector<16xi32>
      %gather3A_42 = tpu.vector_load_idx %arg10[%add3A_26, %broadcast_in_dim3A_41] : memref<512x32xf32, #tpu.memory_space<vmem>>[vector<16xi32>, vector<16xi32>], vector<16xf32>,
      %gather3A_43 = tpu.vector_load_idx %arg11[%add3A_26, %broadcast_in_dim3A_41] : memref<512x32xf32, #tpu.memory_space<vmem>>[vector<16xi32>, vector<16xi32>], vector<16xf32>,
      %mul3A_44 = arith.mulf %gather3A_42, %gather3A_43 : vector<16xf32>
      %add3A_45 = arith.addf %broadcast_in_dim3A_30, %mul3A_44 : vector<16xf32>
      %broadcast_in_dim3A_46 = arith.constant 2 : i32
      %broadcast_in_dim3A_47 = vector.broadcast %broadcast_in_dim3A_46 : i32 to vector<16xi32>
      %gather3A_48 = tpu.vector_load_idx %arg10[%add3A_26, %broadcast_in_dim3A_47] : memref<512x32xf32, #tpu.memory_space<vmem>>[vector<16xi32>, vector<16xi32>], vector<16xf32>,
      %gather3A_49 = tpu.vector_load_idx %arg11[%add3A_26, %broadcast_in_dim3A_47] : memref<512x32xf32, #tpu.memory_space<vmem>>[vector<16xi32>, vector<16xi32>], vector<16xf32>,
      %mul3A_50 = arith.mulf %gather3A_48, %gather3A_49 : vector<16xf32>
      %add3A_51 = arith.addf %broadcast_in_dim3A_32, %mul3A_50 : vector<16xf32>
      %broadcast_in_dim3A_52 = arith.constant 3 : i32
      %broadcast_in_dim3A_53 = vector.broadcast %broadcast_in_dim3A_52 : i32 to vector<16xi32>
      %gather3A_54 = tpu.vector_load_idx %arg10[%add3A_26, %broadcast_in_dim3A_53] : memref<512x32xf32, #tpu.memory_space<vmem>>[vector<16xi32>, vector<16xi32>], vector<16xf32>,
      %gather3A_55 = tpu.vector_load_idx %arg11[%add3A_26, %broadcast_in_dim3A_53] : memref<512x32xf32, #tpu.memory_space<vmem>>[vector<16xi32>, vector<16xi32>], vector<16xf32>,
      %mul3A_56 = arith.mulf %gather3A_54, %gather3A_55 : vector<16xf32>
      %add3A_57 = arith.addf %broadcast_in_dim3A_34, %mul3A_56 : vector<16xf32>
      %broadcast_in_dim3A_58 = arith.constant 4 : i32
      %broadcast_in_dim3A_59 = vector.broadcast %broadcast_in_dim3A_58 : i32 to vector<16xi32>
      %gather3A_60 = tpu.vector_load_idx %arg10[%add3A_26, %broadcast_in_dim3A_59] : memref<512x32xf32, #tpu.memory_space<vmem>>[vector<16xi32>, vector<16xi32>], vector<16xf32>,
      %gather3A_61 = tpu.vector_load_idx %arg11[%add3A_26, %broadcast_in_dim3A_59] : memref<512x32xf32, #tpu.memory_space<vmem>>[vector<16xi32>, vector<16xi32>], vector<16xf32>,
      %mul3A_62 = arith.mulf %gather3A_60, %gather3A_61 : vector<16xf32>
      %add3A_63 = arith.addf %add3A_39, %mul3A_62 : vector<16xf32>
      %broadcast_in_dim3A_64 = arith.constant 5 : i32
      %broadcast_in_dim3A_65 = vector.broadcast %broadcast_in_dim3A_64 : i32 to vector<16xi32>
      %gather3A_66 = tpu.vector_load_idx %arg10[%add3A_26, %broadcast_in_dim3A_65] : memref<512x32xf32, #tpu.memory_space<vmem>>[vector<16xi32>, vector<16xi32>], vector<16xf32>,
      %gather3A_67 = tpu.vector_load_idx %arg11[%add3A_26, %broadcast_in_dim3A_65] : memref<512x32xf32, #tpu.memory_space<vmem>>[vector<16xi32>, vector<16xi32>], vector<16xf32>,
      %mul3A_68 = arith.mulf %gather3A_66, %gather3A_67 : vector<16xf32>
      %add3A_69 = arith.addf %add3A_45, %mul3A_68 : vector<16xf32>
      %broadcast_in_dim3A_70 = arith.constant 6 : i32
      %broadcast_in_dim3A_71 = vector.broadcast %broadcast_in_dim3A_70 : i32 to vector<16xi32>
      %gather3A_72 = tpu.vector_load_idx %arg10[%add3A_26, %broadcast_in_dim3A_71] : memref<512x32xf32, #tpu.memory_space<vmem>>[vector<16xi32>, vector<16xi32>], vector<16xf32>,
      %gather3A_73 = tpu.vector_load_idx %arg11[%add3A_26, %broadcast_in_dim3A_71] : memref<512x32xf32, #tpu.memory_space<vmem>>[vector<16xi32>, vector<16xi32>], vector<16xf32>,
      %mul3A_74 = arith.mulf %gather3A_72, %gather3A_73 : vector<16xf32>
      %add3A_75 = arith.addf %add3A_51, %mul3A_74 : vector<16xf32>
      %broadcast_in_dim3A_76 = arith.constant 7 : i32
      %broadcast_in_dim3A_77 = vector.broadcast %broadcast_in_dim3A_76 : i32 to vector<16xi32>
      %gather3A_78 = tpu.vector_load_idx %arg10[%add3A_26, %broadcast_in_dim3A_77] : memref<512x32xf32, #tpu.memory_space<vmem>>[vector<16xi32>, vector<16xi32>], vector<16xf32>,
      %gather3A_79 = tpu.vector_load_idx %arg11[%add3A_26, %broadcast_in_dim3A_77] : memref<512x32xf32, #tpu.memory_space<vmem>>[vector<16xi32>, vector<16xi32>], vector<16xf32>,
      %mul3A_80 = arith.mulf %gather3A_78, %gather3A_79 : vector<16xf32>
      %add3A_81 = arith.addf %add3A_57, %mul3A_80 : vector<16xf32>
      %broadcast_in_dim3A_82 = arith.constant 8 : i32
      %broadcast_in_dim3A_83 = vector.broadcast %broadcast_in_dim3A_82 : i32 to vector<16xi32>
      %gather3A_84 = tpu.vector_load_idx %arg10[%add3A_26, %broadcast_in_dim3A_83] : memref<512x32xf32, #tpu.memory_space<vmem>>[vector<16xi32>, vector<16xi32>], vector<16xf32>,
      %gather3A_85 = tpu.vector_load_idx %arg11[%add3A_26, %broadcast_in_dim3A_83] : memref<512x32xf32, #tpu.memory_space<vmem>>[vector<16xi32>, vector<16xi32>], vector<16xf32>,
      %mul3A_86 = arith.mulf %gather3A_84, %gather3A_85 : vector<16xf32>
      %add3A_87 = arith.addf %add3A_63, %mul3A_86 : vector<16xf32>
      %broadcast_in_dim3A_88 = arith.constant 9 : i32
      %broadcast_in_dim3A_89 = vector.broadcast %broadcast_in_dim3A_88 : i32 to vector<16xi32>
      %gather3A_90 = tpu.vector_load_idx %arg10[%add3A_26, %broadcast_in_dim3A_89] : memref<512x32xf32, #tpu.memory_space<vmem>>[vector<16xi32>, vector<16xi32>], vector<16xf32>,
      %gather3A_91 = tpu.vector_load_idx %arg11[%add3A_26, %broadcast_in_dim3A_89] : memref<512x32xf32, #tpu.memory_space<vmem>>[vector<16xi32>, vector<16xi32>], vector<16xf32>,
      %mul3A_92 = arith.mulf %gather3A_90, %gather3A_91 : vector<16xf32>
      %add3A_93 = arith.addf %add3A_69, %mul3A_92 : vector<16xf32>
      %broadcast_in_dim3A_94 = arith.constant 10 : i32
      %broadcast_in_dim3A_95 = vector.broadcast %broadcast_in_dim3A_94 : i32 to vector<16xi32>
      %gather3A_96 = tpu.vector_load_idx %arg10[%add3A_26, %broadcast_in_dim3A_95] : memref<512x32xf32, #tpu.memory_space<vmem>>[vector<16xi32>, vector<16xi32>], vector<16xf32>,
      %gather3A_97 = tpu.vector_load_idx %arg11[%add3A_26, %broadcast_in_dim3A_95] : memref<512x32xf32, #tpu.memory_space<vmem>>[vector<16xi32>, vector<16xi32>], vector<16xf32>,
      %mul3A_98 = arith.mulf %gather3A_96, %gather3A_97 : vector<16xf32>
      %add3A_99 = arith.addf %add3A_75, %mul3A_98 : vector<16xf32>
      %broadcast_in_dim3A_100 = arith.constant 11 : i32
      %broadcast_in_dim3A_101 = vector.broadcast %broadcast_in_dim3A_100 : i32 to vector<16xi32>
      %gather3A_102 = tpu.vector_load_idx %arg10[%add3A_26, %broadcast_in_dim3A_101] : memref<512x32xf32, #tpu.memory_space<vmem>>[vector<16xi32>, vector<16xi32>], vector<16xf32>,
      %gather3A_103 = tpu.vector_load_idx %arg11[%add3A_26, %broadcast_in_dim3A_101] : memref<512x32xf32, #tpu.memory_space<vmem>>[vector<16xi32>, vector<16xi32>], vector<16xf32>,
      %mul3A_104 = arith.mulf %gather3A_102, %gather3A_103 : vector<16xf32>
      %add3A_105 = arith.addf %add3A_81, %mul3A_104 : vector<16xf32>
      %broadcast_in_dim3A_106 = arith.constant 12 : i32
      %broadcast_in_dim3A_107 = vector.broadcast %broadcast_in_dim3A_106 : i32 to vector<16xi32>
      %gather3A_108 = tpu.vector_load_idx %arg10[%add3A_26, %broadcast_in_dim3A_107] : memref<512x32xf32, #tpu.memory_space<vmem>>[vector<16xi32>, vector<16xi32>], vector<16xf32>,
      %gather3A_109 = tpu.vector_load_idx %arg11[%add3A_26, %broadcast_in_dim3A_107] : memref<512x32xf32, #tpu.memory_space<vmem>>[vector<16xi32>, vector<16xi32>], vector<16xf32>,
      %mul3A_110 = arith.mulf %gather3A_108, %gather3A_109 : vector<16xf32>
      %add3A_111 = arith.addf %add3A_87, %mul3A_110 : vector<16xf32>
      %broadcast_in_dim3A_112 = arith.constant 13 : i32
      %broadcast_in_dim3A_113 = vector.broadcast %broadcast_in_dim3A_112 : i32 to vector<16xi32>
      %gather3A_114 = tpu.vector_load_idx %arg10[%add3A_26, %broadcast_in_dim3A_113] : memref<512x32xf32, #tpu.memory_space<vmem>>[vector<16xi32>, vector<16xi32>], vector<16xf32>,
      %gather3A_115 = tpu.vector_load_idx %arg11[%add3A_26, %broadcast_in_dim3A_113] : memref<512x32xf32, #tpu.memory_space<vmem>>[vector<16xi32>, vector<16xi32>], vector<16xf32>,
      %mul3A_116 = arith.mulf %gather3A_114, %gather3A_115 : vector<16xf32>
      %add3A_117 = arith.addf %add3A_93, %mul3A_116 : vector<16xf32>
      %broadcast_in_dim3A_118 = arith.constant 14 : i32
      %broadcast_in_dim3A_119 = vector.broadcast %broadcast_in_dim3A_118 : i32 to vector<16xi32>
      %gather3A_120 = tpu.vector_load_idx %arg10[%add3A_26, %broadcast_in_dim3A_119] : memref<512x32xf32, #tpu.memory_space<vmem>>[vector<16xi32>, vector<16xi32>], vector<16xf32>,
      %gather3A_121 = tpu.vector_load_idx %arg11[%add3A_26, %broadcast_in_dim3A_119] : memref<512x32xf32, #tpu.memory_space<vmem>>[vector<16xi32>, vector<16xi32>], vector<16xf32>,
      %mul3A_122 = arith.mulf %gather3A_120, %gather3A_121 : vector<16xf32>
      %add3A_123 = arith.addf %add3A_99, %mul3A_122 : vector<16xf32>
      %broadcast_in_dim3A_124 = arith.constant 15 : i32
      %broadcast_in_dim3A_125 = vector.broadcast %broadcast_in_dim3A_124 : i32 to vector<16xi32>
      %gather3A_126 = tpu.vector_load_idx %arg10[%add3A_26, %broadcast_in_dim3A_125] : memref<512x32xf32, #tpu.memory_space<vmem>>[vector<16xi32>, vector<16xi32>], vector<16xf32>,
      %gather3A_127 = tpu.vector_load_idx %arg11[%add3A_26, %broadcast_in_dim3A_125] : memref<512x32xf32, #tpu.memory_space<vmem>>[vector<16xi32>, vector<16xi32>], vector<16xf32>,
      %mul3A_128 = arith.mulf %gather3A_126, %gather3A_127 : vector<16xf32>
      %add3A_129 = arith.addf %add3A_105, %mul3A_128 : vector<16xf32>
      %broadcast_in_dim3A_130 = arith.constant 16 : i32
      %broadcast_in_dim3A_131 = vector.broadcast %broadcast_in_dim3A_130 : i32 to vector<16xi32>
      %gather3A_132 = tpu.vector_load_idx %arg10[%add3A_26, %broadcast_in_dim3A_131] : memref<512x32xf32, #tpu.memory_space<vmem>>[vector<16xi32>, vector<16xi32>], vector<16xf32>,
      %gather3A_133 = tpu.vector_load_idx %arg11[%add3A_26, %broadcast_in_dim3A_131] : memref<512x32xf32, #tpu.memory_space<vmem>>[vector<16xi32>, vector<16xi32>], vector<16xf32>,
      %mul3A_134 = arith.mulf %gather3A_132, %gather3A_133 : vector<16xf32>
      %add3A_135 = arith.addf %add3A_111, %mul3A_134 : vector<16xf32>
      %broadcast_in_dim3A_136 = arith.constant 17 : i32
      %broadcast_in_dim3A_137 = vector.broadcast %broadcast_in_dim3A_136 : i32 to vector<16xi32>
      %gather3A_138 = tpu.vector_load_idx %arg10[%add3A_26, %broadcast_in_dim3A_137] : memref<512x32xf32, #tpu.memory_space<vmem>>[vector<16xi32>, vector<16xi32>], vector<16xf32>,
      %gather3A_139 = tpu.vector_load_idx %arg11[%add3A_26, %broadcast_in_dim3A_137] : memref<512x32xf32, #tpu.memory_space<vmem>>[vector<16xi32>, vector<16xi32>], vector<16xf32>,
      %mul3A_140 = arith.mulf %gather3A_138, %gather3A_139 : vector<16xf32>
      %add3A_141 = arith.addf %add3A_117, %mul3A_140 : vector<16xf32>
      %broadcast_in_dim3A_142 = arith.constant 18 : i32
      %broadcast_in_dim3A_143 = vector.broadcast %broadcast_in_dim3A_142 : i32 to vector<16xi32>
      %gather3A_144 = tpu.vector_load_idx %arg10[%add3A_26, %broadcast_in_dim3A_143] : memref<512x32xf32, #tpu.memory_space<vmem>>[vector<16xi32>, vector<16xi32>], vector<16xf32>,
      %gather3A_145 = tpu.vector_load_idx %arg11[%add3A_26, %broadcast_in_dim3A_143] : memref<512x32xf32, #tpu.memory_space<vmem>>[vector<16xi32>, vector<16xi32>], vector<16xf32>,
      %mul3A_146 = arith.mulf %gather3A_144, %gather3A_145 : vector<16xf32>
      %add3A_147 = arith.addf %add3A_123, %mul3A_146 : vector<16xf32>
      %broadcast_in_dim3A_148 = arith.constant 19 : i32
      %broadcast_in_dim3A_149 = vector.broadcast %broadcast_in_dim3A_148 : i32 to vector<16xi32>
      %gather3A_150 = tpu.vector_load_idx %arg10[%add3A_26, %broadcast_in_dim3A_149] : memref<512x32xf32, #tpu.memory_space<vmem>>[vector<16xi32>, vector<16xi32>], vector<16xf32>,
      %gather3A_151 = tpu.vector_load_idx %arg11[%add3A_26, %broadcast_in_dim3A_149] : memref<512x32xf32, #tpu.memory_space<vmem>>[vector<16xi32>, vector<16xi32>], vector<16xf32>,
      %mul3A_152 = arith.mulf %gather3A_150, %gather3A_151 : vector<16xf32>
      %add3A_153 = arith.addf %add3A_129, %mul3A_152 : vector<16xf32>
      %broadcast_in_dim3A_154 = arith.constant 20 : i32
      %broadcast_in_dim3A_155 = vector.broadcast %broadcast_in_dim3A_154 : i32 to vector<16xi32>
      %gather3A_156 = tpu.vector_load_idx %arg10[%add3A_26, %broadcast_in_dim3A_155] : memref<512x32xf32, #tpu.memory_space<vmem>>[vector<16xi32>, vector<16xi32>], vector<16xf32>,
      %gather3A_157 = tpu.vector_load_idx %arg11[%add3A_26, %broadcast_in_dim3A_155] : memref<512x32xf32, #tpu.memory_space<vmem>>[vector<16xi32>, vector<16xi32>], vector<16xf32>,
      %mul3A_158 = arith.mulf %gather3A_156, %gather3A_157 : vector<16xf32>
      %add3A_159 = arith.addf %add3A_135, %mul3A_158 : vector<16xf32>
      %broadcast_in_dim3A_160 = arith.constant 21 : i32
      %broadcast_in_dim3A_161 = vector.broadcast %broadcast_in_dim3A_160 : i32 to vector<16xi32>
      %gather3A_162 = tpu.vector_load_idx %arg10[%add3A_26, %broadcast_in_dim3A_161] : memref<512x32xf32, #tpu.memory_space<vmem>>[vector<16xi32>, vector<16xi32>], vector<16xf32>,
      %gather3A_163 = tpu.vector_load_idx %arg11[%add3A_26, %broadcast_in_dim3A_161] : memref<512x32xf32, #tpu.memory_space<vmem>>[vector<16xi32>, vector<16xi32>], vector<16xf32>,
      %mul3A_164 = arith.mulf %gather3A_162, %gather3A_163 : vector<16xf32>
      %add3A_165 = arith.addf %add3A_141, %mul3A_164 : vector<16xf32>
      %broadcast_in_dim3A_166 = arith.constant 22 : i32
      %broadcast_in_dim3A_167 = vector.broadcast %broadcast_in_dim3A_166 : i32 to vector<16xi32>
      %gather3A_168 = tpu.vector_load_idx %arg10[%add3A_26, %broadcast_in_dim3A_167] : memref<512x32xf32, #tpu.memory_space<vmem>>[vector<16xi32>, vector<16xi32>], vector<16xf32>,
      %gather3A_169 = tpu.vector_load_idx %arg11[%add3A_26, %broadcast_in_dim3A_167] : memref<512x32xf32, #tpu.memory_space<vmem>>[vector<16xi32>, vector<16xi32>], vector<16xf32>,
      %mul3A_170 = arith.mulf %gather3A_168, %gather3A_169 : vector<16xf32>
      %add3A_171 = arith.addf %add3A_147, %mul3A_170 : vector<16xf32>
      %broadcast_in_dim3A_172 = arith.constant 23 : i32
      %broadcast_in_dim3A_173 = vector.broadcast %broadcast_in_dim3A_172 : i32 to vector<16xi32>
      %gather3A_174 = tpu.vector_load_idx %arg10[%add3A_26, %broadcast_in_dim3A_173] : memref<512x32xf32, #tpu.memory_space<vmem>>[vector<16xi32>, vector<16xi32>], vector<16xf32>,
      %gather3A_175 = tpu.vector_load_idx %arg11[%add3A_26, %broadcast_in_dim3A_173] : memref<512x32xf32, #tpu.memory_space<vmem>>[vector<16xi32>, vector<16xi32>], vector<16xf32>,
      %mul3A_176 = arith.mulf %gather3A_174, %gather3A_175 : vector<16xf32>
      %add3A_177 = arith.addf %add3A_153, %mul3A_176 : vector<16xf32>
      %broadcast_in_dim3A_178 = arith.constant 24 : i32
      %broadcast_in_dim3A_179 = vector.broadcast %broadcast_in_dim3A_178 : i32 to vector<16xi32>
      %gather3A_180 = tpu.vector_load_idx %arg10[%add3A_26, %broadcast_in_dim3A_179] : memref<512x32xf32, #tpu.memory_space<vmem>>[vector<16xi32>, vector<16xi32>], vector<16xf32>,
      %gather3A_181 = tpu.vector_load_idx %arg11[%add3A_26, %broadcast_in_dim3A_179] : memref<512x32xf32, #tpu.memory_space<vmem>>[vector<16xi32>, vector<16xi32>], vector<16xf32>,
      %mul3A_182 = arith.mulf %gather3A_180, %gather3A_181 : vector<16xf32>
      %add3A_183 = arith.addf %add3A_159, %mul3A_182 : vector<16xf32>
      %broadcast_in_dim3A_184 = arith.constant 25 : i32
      %broadcast_in_dim3A_185 = vector.broadcast %broadcast_in_dim3A_184 : i32 to vector<16xi32>
      %gather3A_186 = tpu.vector_load_idx %arg10[%add3A_26, %broadcast_in_dim3A_185] : memref<512x32xf32, #tpu.memory_space<vmem>>[vector<16xi32>, vector<16xi32>], vector<16xf32>,
      %gather3A_187 = tpu.vector_load_idx %arg11[%add3A_26, %broadcast_in_dim3A_185] : memref<512x32xf32, #tpu.memory_space<vmem>>[vector<16xi32>, vector<16xi32>], vector<16xf32>,
      %mul3A_188 = arith.mulf %gather3A_186, %gather3A_187 : vector<16xf32>
      %add3A_189 = arith.addf %add3A_165, %mul3A_188 : vector<16xf32>
      %broadcast_in_dim3A_190 = arith.constant 26 : i32
      %broadcast_in_dim3A_191 = vector.broadcast %broadcast_in_dim3A_190 : i32 to vector<16xi32>
      %gather3A_192 = tpu.vector_load_idx %arg10[%add3A_26, %broadcast_in_dim3A_191] : memref<512x32xf32, #tpu.memory_space<vmem>>[vector<16xi32>, vector<16xi32>], vector<16xf32>,
      %gather3A_193 = tpu.vector_load_idx %arg11[%add3A_26, %broadcast_in_dim3A_191] : memref<512x32xf32, #tpu.memory_space<vmem>>[vector<16xi32>, vector<16xi32>], vector<16xf32>,
      %mul3A_194 = arith.mulf %gather3A_192, %gather3A_193 : vector<16xf32>
      %add3A_195 = arith.addf %add3A_171, %mul3A_194 : vector<16xf32>
      %broadcast_in_dim3A_196 = arith.constant 27 : i32
      %broadcast_in_dim3A_197 = vector.broadcast %broadcast_in_dim3A_196 : i32 to vector<16xi32>
      %gather3A_198 = tpu.vector_load_idx %arg10[%add3A_26, %broadcast_in_dim3A_197] : memref<512x32xf32, #tpu.memory_space<vmem>>[vector<16xi32>, vector<16xi32>], vector<16xf32>,
      %gather3A_199 = tpu.vector_load_idx %arg11[%add3A_26, %broadcast_in_dim3A_197] : memref<512x32xf32, #tpu.memory_space<vmem>>[vector<16xi32>, vector<16xi32>], vector<16xf32>,
      %mul3A_200 = arith.mulf %gather3A_198, %gather3A_199 : vector<16xf32>
      %add3A_201 = arith.addf %add3A_177, %mul3A_200 : vector<16xf32>
      %broadcast_in_dim3A_202 = arith.constant 28 : i32
      %broadcast_in_dim3A_203 = vector.broadcast %broadcast_in_dim3A_202 : i32 to vector<16xi32>
      %gather3A_204 = tpu.vector_load_idx %arg10[%add3A_26, %broadcast_in_dim3A_203] : memref<512x32xf32, #tpu.memory_space<vmem>>[vector<16xi32>, vector<16xi32>], vector<16xf32>,
      %gather3A_205 = tpu.vector_load_idx %arg11[%add3A_26, %broadcast_in_dim3A_203] : memref<512x32xf32, #tpu.memory_space<vmem>>[vector<16xi32>, vector<16xi32>], vector<16xf32>,
      %mul3A_206 = arith.mulf %gather3A_204, %gather3A_205 : vector<16xf32>
      %add3A_207 = arith.addf %add3A_183, %mul3A_206 : vector<16xf32>
      %broadcast_in_dim3A_208 = arith.constant 29 : i32
      %broadcast_in_dim3A_209 = vector.broadcast %broadcast_in_dim3A_208 : i32 to vector<16xi32>
      %gather3A_210 = tpu.vector_load_idx %arg10[%add3A_26, %broadcast_in_dim3A_209] : memref<512x32xf32, #tpu.memory_space<vmem>>[vector<16xi32>, vector<16xi32>], vector<16xf32>,
      %gather3A_211 = tpu.vector_load_idx %arg11[%add3A_26, %broadcast_in_dim3A_209] : memref<512x32xf32, #tpu.memory_space<vmem>>[vector<16xi32>, vector<16xi32>], vector<16xf32>,
      %mul3A_212 = arith.mulf %gather3A_210, %gather3A_211 : vector<16xf32>
      %add3A_213 = arith.addf %add3A_189, %mul3A_212 : vector<16xf32>
      %broadcast_in_dim3A_214 = arith.constant 30 : i32
      %broadcast_in_dim3A_215 = vector.broadcast %broadcast_in_dim3A_214 : i32 to vector<16xi32>
      %gather3A_216 = tpu.vector_load_idx %arg10[%add3A_26, %broadcast_in_dim3A_215] : memref<512x32xf32, #tpu.memory_space<vmem>>[vector<16xi32>, vector<16xi32>], vector<16xf32>,
      %gather3A_217 = tpu.vector_load_idx %arg11[%add3A_26, %broadcast_in_dim3A_215] : memref<512x32xf32, #tpu.memory_space<vmem>>[vector<16xi32>, vector<16xi32>], vector<16xf32>,
      %mul3A_218 = arith.mulf %gather3A_216, %gather3A_217 : vector<16xf32>
      %add3A_219 = arith.addf %add3A_195, %mul3A_218 : vector<16xf32>
      %broadcast_in_dim3A_220 = arith.constant 31 : i32
      %broadcast_in_dim3A_221 = vector.broadcast %broadcast_in_dim3A_220 : i32 to vector<16xi32>
      %gather3A_222 = tpu.vector_load_idx %arg10[%add3A_26, %broadcast_in_dim3A_221] : memref<512x32xf32, #tpu.memory_space<vmem>>[vector<16xi32>, vector<16xi32>], vector<16xf32>,
      %gather3A_223 = tpu.vector_load_idx %arg11[%add3A_26, %broadcast_in_dim3A_221] : memref<512x32xf32, #tpu.memory_space<vmem>>[vector<16xi32>, vector<16xi32>], vector<16xf32>,
      %mul3A_224 = arith.mulf %gather3A_222, %gather3A_223 : vector<16xf32>
      %add3A_225 = arith.addf %add3A_201, %mul3A_224 : vector<16xf32>
      %add3A_226 = arith.addf %add3A_207, %add3A_213 : vector<16xf32>
      %add3A_227 = arith.addf %add3A_219, %add3A_225 : vector<16xf32>
      %add3A_228 = arith.addf %add3A_226, %add3A_227 : vector<16xf32>
      %mul3A_229 = arith.mulf %add3A_228, %get3A_13 : vector<16xf32>
      %add3A_230 = arith.addf %mul3A_229, %get3A_15 : vector<16xf32>
      %neg3A = arith.constant 0.000000e+00 : f32
      %neg3A_231 = vector.broadcast %neg3A : f32 to vector<16xf32>
      %neg3A_232 = arith.subf %neg3A_231, %add3A_230 : vector<16xf32>
      %exp3A = math.exp %neg3A_232 : vector<16xf32>
      %add3A_233 = arith.addf %broadcast_in_dim3A_16, %exp3A : vector<16xf32>
      %div3A = arith.divf %broadcast_in_dim3A_16, %add3A_233 : vector<16xf32>
      %mul3A_234 = arith.constant 16 : i32
      %mul3A_235 = arith.muli %scan3A_22, %mul3A_234 : i32
      %swap3A = arith.index_cast %mul3A_235 : i32 to index
      %swap3A_236 = tpu.vector_load %arg12[%swap3A] {strides = array<i32>} : memref<512xf32, #tpu.memory_space<vmem>>, vector<16xf32>,
      tpu.vector_store %arg12[%swap3A], %div3A {strides = array<i32>} : memref<512xf32, #tpu.memory_space<vmem>>, vector<16xf32>,
    }
    %scan3A_21 = arith.constant 32 : i32
    "tpu.region"() ({
      %run_scoped3A = tpu.sem_alloc : memref<!tpu.dma_semaphore, #tpu.memory_space<semaphore_mem>>
      %dma_start3A_22 = tpu.memref_slice %arg7[%mul3A_2] : memref<16384xf32, #tpu.memory_space<hbm>> -> memref<512xf32, #tpu.memory_space<hbm>>
      %dma_start3A_23 = tpu.memref_slice %arg7[%mul3A_2] : memref<16384xf32, #tpu.memory_space<hbm>> -> memref<512xf32, #tpu.memory_space<hbm>>
      tpu.enqueue_dma source(%arg12 : memref<512xf32, #tpu.memory_space<vmem>>) target(%dma_start3A_23 : memref<512xf32, #tpu.memory_space<hbm>>) target_semaphore(%run_scoped3A : memref<!tpu.dma_semaphore, #tpu.memory_space<semaphore_mem>>)
      %dma_wait3A_24 = tpu.memref_slice %arg7[%mul3A_2] : memref<16384xf32, #tpu.memory_space<hbm>> -> memref<512xf32, #tpu.memory_space<hbm>>
      %dma_wait3A_25 = tpu.memref_slice %arg7[%mul3A_2] : memref<16384xf32, #tpu.memory_space<hbm>> -> memref<512xf32, #tpu.memory_space<hbm>>
      tpu.wait_dma2 semaphore(%run_scoped3A : memref<!tpu.dma_semaphore, #tpu.memory_space<semaphore_mem>>) src(%arg12 : memref<512xf32, #tpu.memory_space<vmem>>) dst(%dma_wait3A_25 : memref<512xf32, #tpu.memory_space<hbm>>)
      tpu.yield
    }) : () -> ()
    return
  }
}

</mosaic_0001>

<sc_bundles>
// kernel: kernel.3.cloned.1.call-start
scs
__scs_entry_jumppad:
0x0: {  	(pc) =	sbr.rel $0x88, $3  }
0x1: {  	(tag) =	ssettag $0x0;
	lr =	simm.s32 $0x1  }
0x2: {  	[smem:$0x3F9C] =	sst lr;
	_ =	strace $0xD0000000  }
0x3: {  	_ = 	snop  }
0x4: {  	_ = 	snop  }
0x5: {  	_ = 	snop  }
0x6: {  	_ = 	snop  }
0x7: {  	_ = 	snop  }
__scs_overlays_trampoline_lowered:
0x8: {  	[smem:$0x3FAB] =	sst s0  }
0x9: {  	[smem:$0x3FAC] =	sst s1  }
0xa: {  	[smem:$0x3FAD] =	sst s2  }
0xb: {  	[smem:$0x3FAE] =	sst s3  }
0xc: {  	[smem:$0x3FAF] =	sst s4  }
0xd: {  	[smem:$0x3FB0] =	sst s5  }
0xe: {  	[smem:$0x3FB1] =	sst s6  }
0xf: {  	[smem:$0x3FB2] =	sst s7  }
0x10: {  	[smem:$0x3FB3] =	sst s8  }
0x11: {  	[smem:$0x3FB4] =	sst s9;
	s0 =	simm.s32 @!p0 $0x0  }
0x12: {  	s1 =	sld [smem:$0x3F9A];
	s0 =	simm.s32 @p0 $0x1  }
0x13: {  	[smem:$0x3FB5] =	sst s0;
	s0 =	simm.s32 @!p1 $0x0  }
0x14: {  	s2 =	sld [smem:$0x3F99];
	s0 =	simm.s32 @p1 $0x1  }
0x15: {  	[smem:$0x3FB6] =	sst s0;
	s0 =	simm.s32 @!p2 $0x0  }
0x16: {  	s3 =	sld [smem:$0x3FDB];
	s0 =	simm.s32 @p2 $0x1  }
0x17: {  	s4 =	simm.s32 $0x1BF5;
	[smem:$0x3FB8] =	sst s0  }
0x18: {  	s0 =	sld [smem:$0x3F9B];
	_ =	swait.ge [sflag:s4], $0x0  }
0x19: {  	s7 =	sld [smem:$0x3F9C]  }
0x1a: {  	s8 =	sadd.s32 $0xFFFFE003, lr  }
0x1b: {  	s9 =	sadd.s32 $0xFFFFFEF7, lr;
	s5 =	simm.s32 $0xFFFFFFFF;
	p2 =	slt.u32 s8, $0xFFFFF086  }
0x1c: {  	p1 =	slt.u32 s9, $0xF7A;
	s5 =	simm.s32 @!p2 $0x0  }
0x1d: {  	s5 =	simm.s32 @p1 $0x1;
	p0 =	seq.s32 s7, s2  }
0x1e: {  	s7 =	smul.u32 @!p0 $0xF7A, s2;
	p2 =	seq.s32 @!p0 s5, $0x0  }
0x1f: {  	s9 =	smul.u32 $0xF7A, s1;
	s8 =	simm.s32 @!p0 $0x1BF5;
	p2 =	por !p2, p0  }
0x20: {  	[sflag:s8] =	ssyncset.s32 @!p0 $0xFFFFF086;
	s6 =	sadd.s32 @!p0 s3, s7;
	s7 =	simm.s32 @!p0 $0x108  }
0x21: {  	s3 =	sadd.s32 s3, s9;
	s6 =	sadd.s32 @!p0 $0x88, s6;
	s7 =	simm.s32 @p2 $0x1082  }
0x22: {  	[simem:s7], [sflag:s8] =	dma.local @!p0 [hbm:s6], $0xF7A  }
0x23: {  	s9 =	sor.u32 $0xD0000000, s2;
	s6 =	simm.s32 $0x108;
	_ =	swait.ge @!p0 [sflag:s8], $0x0  }
0x24: {  	s3 =	sadd.s32 $0x88, s3;
	s6 =	simm.s32 @!p1 $0x1082;
	[sflag:s4] =	ssyncset.s32 $0xFFFFF086  }
0x25: {  	[simem:s6], [sflag:s4] =	dma.local [hbm:s3], $0xF7A  }
0x26: {  	[smem:$0x3F9C] =	sst s1;
	(tag) =	ssettag s2;
	_ =	strace s9  }
0x27: {  	s1 =	sld [smem:$0x3FAC]  }
0x28: {  	s2 =	sld [smem:$0x3FAD]  }
0x29: {  	s4 =	sld [smem:$0x3FAF]  }
0x2a: {  	p0 =	seq.s32 s5, $0x0;
	s5 =	sld [smem:$0x3FB0]  }
0x2b: {  	s6 =	sld [smem:$0x3FB1]  }
0x2c: {  	s7 =	sld [smem:$0x3FB2]  }
0x2d: {  	s3 =	simm.s32 $0x108;
	s8 =	sld [smem:$0x3FB3]  }
0x2e: {  	s3 =	simm.s32 @!p0 $0x1082;
	s9 =	sld [smem:$0x3FB4]  }
0x2f: {  	lr =	sadd.s32 s0, s3;
	s0 =	sld [smem:$0x3FAB]  }
0x30: {  	s3 =	sld [smem:$0x3FAE]  }
0x31: {  	[smem:$0x3FB7] =	sst s10  }
0x32: {  	s10 =	sld [smem:$0x3FB5];
	_ =	sdelay $0x3  }
0x33: {  	p0 =	seq.s32 s10, $0x1;
	s10 =	sld [smem:$0x3FB7];
	_ =	sdelay $0x3  }
0x34: {  	[smem:$0x3FB7] =	sst s10  }
0x35: {  	s10 =	sld [smem:$0x3FB6];
	_ =	sdelay $0x3  }
0x36: {  	p1 =	seq.s32 s10, $0x1;
	s10 =	sld [smem:$0x3FB7];
	_ =	sdelay $0x3  }
0x37: {  	[smem:$0x3FB7] =	sst s10  }
0x38: {  	s10 =	sld [smem:$0x3FB8]  }
0x39: {  	_ = 	snop;
	(pc) =	sbr.ind lr, $3  }
0x3a: {  	_ = 	snop  }
0x3b: {  	_ = 	snop  }
0x3c: {  	p2 =	seq.s32 s10, $0x1;
	s10 =	sld [smem:$0x3FB7]  }
0x3d: {  	_ =	shalt  }
0x3e: {  	_ =	shalt  }
0x3f: {  	_ =	shalt  }
0x40: {  	_ =	shalt  }
0x41: {  	_ =	shalt  }
0x42: {  	_ =	shalt  }
0x43: {  	_ =	shalt  }
0x44: {  	_ =	shalt  }
0x45: {  	_ =	shalt  }
0x46: {  	_ =	shalt  }
0x47: {  	_ =	shalt  }
0x48: {  	_ =	shalt  }
0x49: {  	_ =	shalt  }
0x4a: {  	_ =	shalt  }
0x4b: {  	_ =	shalt  }
0x4c: {  	_ =	shalt  }
0x4d: {  	_ =	shalt  }
0x4e: {  	_ =	shalt  }
0x4f: {  	_ =	shalt  }
0x50: {  	_ =	shalt  }
0x51: {  	_ =	shalt  }
0x52: {  	_ =	shalt  }
0x53: {  	_ =	shalt  }
0x54: {  	_ =	shalt  }
0x55: {  	_ =	shalt  }
0x56: {  	_ =	shalt  }
0x57: {  	_ =	shalt  }
0x58: {  	_ =	shalt  }
0x59: {  	_ =	shalt  }
0x5a: {  	_ =	shalt  }
0x5b: {  	_ =	shalt  }
0x5c: {  	_ =	shalt  }
0x5d: {  	_ =	shalt  }
0x5e: {  	_ =	shalt  }
0x5f: {  	_ =	shalt  }
0x60: {  	_ =	shalt  }
0x61: {  	_ =	shalt  }
0x62: {  	_ =	shalt  }
0x63: {  	_ =	shalt  }
0x64: {  	_ =	shalt  }
0x65: {  	_ =	shalt  }
0x66: {  	_ =	shalt  }
0x67: {  	_ =	shalt  }
0x68: {  	_ =	shalt  }
0x69: {  	_ =	shalt  }
0x6a: {  	_ =	shalt  }
0x6b: {  	_ =	shalt  }
0x6c: {  	_ =	shalt  }
0x6d: {  	_ =	shalt  }
0x6e: {  	_ =	shalt  }
0x6f: {  	_ =	shalt  }
0x70: {  	_ =	shalt  }
0x71: {  	_ =	shalt  }
0x72: {  	_ =	shalt  }
0x73: {  	_ =	shalt  }
0x74: {  	_ =	shalt  }
0x75: {  	_ =	shalt  }
0x76: {  	_ =	shalt  }
0x77: {  	_ =	shalt  }
0x78: {  	_ =	shalt  }
0x79: {  	_ =	shalt  }
0x7a: {  	_ =	shalt  }
0x7b: {  	_ =	shalt  }
0x7c: {  	_ =	shalt  }
0x7d: {  	_ =	shalt  }
0x7e: {  	_ =	shalt  }
0x7f: {  	_ =	shalt  }
0x80: {  	_ =	shalt  }
0x81: {  	_ =	shalt  }
0x82: {  	_ =	shalt  }
0x83: {  	_ =	shalt  }
0x84: {  	_ =	shalt  }
0x85: {  	_ =	shalt  }
0x86: {  	_ =	shalt  }
0x87: {  	_ =	shalt  }
.Lfunc_end0:
.L_simem_size_0:
called_computation_lowered:
.L_overlay_start_0:
0x88: {  	s2 =	sld [smem:$0x3FD9]  }
0x89: {  	s3 =	sld [smem:$0x3FFE];
	_ =	sdelay $0x1  }
0x8a: {  	s1 =	srdreg.scid  }
0x8b: {  	s0 =	sand.u32 $0x1, s1  }
0x8c: {  	s17 =	sshll.u32 s0, $0xA;
	s2 =	sadd.s32 s3, s2  }
0x8d: {  	s2 =	sadd.s32 s2, s17  }
0x8e: {  	[smem:$0x3FC3] =	sst s2  }
0x8f: {  	_ = 	snop  }
0x90: {  	s2 =	sld [smem:$0x3FD0];
	(tm) =	ssettm $0x1  }
0x91: {  	s18 =	sld [smem:$0x3FFB];
	_ =	sdelay $0x3  }
0x92: {  	_ =	strace s18  }
0x93: {  	s3 =	sld [smem:$0x3FFC];
	_ =	sdelay $0x3  }
0x94: {  	_ =	strace s3  }
0x95: {  	s3 =	sld [smem:$0x3FFD];
	_ =	sdelay $0x3  }
0x96: {  	_ =	strace s3  }
0x97: {  	_ =	strace $0x8FFFFFFF  }
0x98: {  	s19 =	sld [smem:$0x3FDB];
	_ =	sdelay $0x1  }
0x99: {  	s4 =	simm.s32 $_scs_section_size  }
0x9a: {  	s5 =	simm.s32 $_size__tile_overlayer_lowered;
	s6 =	simm.s32 $_tile_overlayer_lowered  }
0x9b: {  	s22 =	simm.s32 $0x1BFF;
	s21 =	sshll.u32 s6, $0x1;
	s3 =	sadd.s32 s4, s19  }
0x9c: {  	s7 =	simm.s32 $0x0;
	s20 =	sshll.u32 s5, $0x1;
	s5 =	sadd.s32 s21, s3  }
0x9d: {  	[timem:s7], [sflag:s22] =	dma.local [hbm:s5], s20  }
0x9e: {  	_ =	swait.ge [sflag:s22], s20  }
0x9f: {  	s4 =	ssub.s32 $0x0, s20;
	[sflag:s22] =	ssyncset.done $0x0  }
0xa0: {  	[sflag:s22] =	ssyncadd.s32 s4;
	_ =	sdelay $0x1  }
0xa1: {  	s23 =	simm.s32 $0x1B8B  }
0xa2: {  	_ =	swait.ge [sflag:s23], $0x1  }
0xa3: {  	[sflag:s23] =	ssyncset.done $0x0  }
0xa4: {  	s25 =	simm.s32 $0x1B8E;
	s24 =	sld [smem:$0x3FFE];
	[sflag:s23] =	ssyncadd.s32 $0xFFFFFFFF  }
0xa5: {  	s26 =	simm.s32 $execute0_lowered;
	[smem:$0x3FD2] =	sst s25  }
0xa6: {  	s5 =	sshll.u32 s26, $0x1;
	_ =	strace $0x80000046;
	[dreg:$0x1] =	wrdreg $0xFFFFFFFF  }
0xa7: {  	s28 =	simm.s32 $_size_execute0_lowered;
	s3 =	sadd.s32 s3, s5;
	[dreg:$0x0] =	wrdreg $0x0  }
0xa8: {  	s5 =	sshll.u32 s28, $0x1;
	[dreg:$0x2] =	wrdreg s3  }
0xa9: {  	[dreg:$0x3] =	wrdreg s5  }
0xaa: {  	[dreg:$0x4] =	wrdreg $0xC0  }
0xab: {  	_ =	task [dreg:s7], $0x5FFFF  }
0xac: {  	[dreg:$0x1] =	wrdreg $0xFFFFFFFF  }
0xad: {  	[dreg:$0x0] =	wrdreg $0x60  }
0xae: {  	[dreg:$0x2] =	wrdreg s24  }
0xaf: {  	[dreg:$0x3] =	wrdreg s2  }
0xb0: {  	[dreg:$0x4] =	wrdreg $0x9  }
0xb1: {  	_ =	task.clear_ibuf [dreg:s7], $0x5FFFF;
	_ =	strace $0x90000046  }
0xb2: {  	s29 =	simm.s32 $0x9;
	_ =	strace $0x80000048  }
0xb3: {  	_ =	swait.ge [sflag:s29], $0x1  }
0xb4: {  	[sflag:s29] =	ssyncadd.s32 $0xFFFFFFFF  }
0xb5: {  	_ =	strace $0x90000048  }
0xb6: {  	_ =	sfence  }
0xb7: {  	s30 =	sld [smem:$0x0];
	_ =	sdelay $0x2  }
0xb8: {  	s31 =	sshll.u32 s1, $0xD;
	s1 =	sshrl.u32 s1, $0x2  }
0xb9: {  	s3 =	sand.u32 $0x4000, s31;
	s1 =	sadd.s32 s1, s30  }
0xba: {  	s0 =	sor.u32 s3, s0;
	s1 =	sshll.u32 s1, $0x11  }
0xbb: {  	s0 =	sor.u32 s1, s0  }
0xbc: {  	s0 =	sadd.s32 $0x8F2B, s0  }
0xbd: {  	[sflag:s0] =	ssyncadd.remote.s32 $0x1  }
0xbe: {  	_ =	sfence.sel $0xFFFF  }
0xbf: {  	[dreg:$0x0] =	wrdreg $0xFFFFFFFF;
	(pc) =	sbr.abs _section_cstart, $3  }
0xc0: {  	[dreg:$0x1] =	wrdreg $0xFFFFFFFF  }
0xc1: {  	_ =	task.clear_ibuf [dreg:s7], $0x2FFFF;
	_ =	strace $0x9FFFFFFF  }
0xc2: {  	(tm) =	ssettm $0x7FFFFFFF  }
0xc3: {  	_ =	shalt  }
tec
execute0_lowered:
.L_overlay_start_1:
0x0: {  	(tag) =	ssettag $0x1  }
0x1: {  	s5 =	rddreg [dreg:$0x0]  }
0x2: {  	s8 =	rddreg [dreg:$0x1];
	s2 =	srdreg.scid  }
0x3: {  	s0 =	rddreg [dreg:$0x2];
	s1 =	stileid.u32  }
0x4: {  	s11 =	simm.s32 $0x200;
	s12 =	simm.s32 $0x8600;
	s13 =	simm.s32 $0x400  }
0x5: {  	s14 =	simm.s32 $0x4400;
	s15 =	simm.s32 $0x1;
	s16 =	simm.s32 $0x2  }
0x6: {  	s17 =	simm.s32 $0x8400;
	s18 =	simm.s32 $0x0;
	s3 =	sand.u32 $0x1, s2  }
0x7: {  	s2 =	simm.s32 $0x0;
	s4 =	sshll.u32 s1, $0x7;
	s6 =	sshll.u32 s3, $0x6  }
0x8: {  	[smem:$0x7FF] =	sst s2;
	s31 =	ssub.s32 $0x2, s3;
	s3 =	sadd.s32 $0x1314400, s5  }
0x9: {  	s9 =	sor.u32 s6, s4;
	_ =	strace $0x80000047;
	s4 =	sadd.s32 $0xF43A00, s5  }
0xa: {  	s10 =	sshrl.u32 s31, $0x1;
	s7 =	sadd.s32 s9, s5;
	s5 =	sadd.s32 $0x1800, s5  }
0xb: {  	v0 =	vlaneseq.u32;
	s10 =	ssub.s32 s31, s10;
	s8 =	sadd.s32 s8, s9;
	s6 =	sadd.s32 $0xE00, s7  }
0xc: {  	v0 =	vmul.u32 $0x20, v0;
	s7 =	sadd.s32 $0x600, s7;
	s9 =	smax.u32 s10, $0x1;
	s10 =	simm.s32 $0x3  }
.LBB2_1:
0xd: {  	[tilespmem:s2], [sflag:$0x3] =	stream.linear.gather [hbm4b:s6+s2], $0x200, $0x38;
	[tilespmem:$0x8620] =	vst v63  }
0xe: {  	_ =	swait.ge [sflag:s10], $0x200  }
0xf: {  	[sflag:s10] =	ssyncset.done $0x0  }
0x10: {  	[sflag:s10] =	ssyncadd.s32 $0xFFFFFE00  }
0x11: {  	[tilespmem:s11], [sflag:$0x3] =	stream.linear.gather [hbm4b:s7+s2], $0x200, $0x38;
	[tilespmem:$0x8620] =	vst v63  }
0x12: {  	_ =	swait.ge [sflag:s10], $0x200  }
0x13: {  	[sflag:s10] =	ssyncset.done $0x0  }
0x14: {  	[sflag:s10] =	ssyncadd.s32 $0xFFFFFE00  }
0x15: {  	[tilespmem:s12], [sflag:$0x3] =	stream.linear.gather [hbm4b:s5+s2], $0x20, $0x38;
	[tilespmem:$0x8620] =	vst v63  }
0x16: {  	_ =	swait.ge [sflag:s10], $0x20  }
0x17: {  	[sflag:s10] =	ssyncset.done $0x0  }
0x18: {  	[sflag:s10] =	ssyncadd.s32 $0xFFFFFFE0  }
0x19: {  	[tilespmem:s13], [sflag:$0x1] =	stream.indirect.gather [hbm4b:s3+s11], $0x20, s2, s11, $0xb8;
	[tilespmem:$0x8620] =	vst v63  }
0x1a: {  	v1 =	vmov s2  }
0x1b: {  	v1 =	vshll.u32 v1, $0x5;
	[tilespmem:s14], [sflag:$0x2] =	stream.indirect.gather [hbm4b:s4+s11], $0x20, s11, s11, $0xb8;
	[tilespmem:$0x8620] =	vst v63  }
0x1c: {  	v3 =	vor.u32 v0, v1;
	_ =	swait.ge [sflag:s15], $0x4000  }
0x1d: {  	v1 =	vor.u32 $0x1C, v3;
	[sflag:s15] =	ssyncset.done $0x0  }
0x1e: {  	[sflag:s15] =	ssyncadd.s32 $0xFFFFC000  }
0x1f: {  	v2 =	vor.u32 $0x1D, v3;
	_ =	swait.ge [sflag:s16], $0x4000  }
0x20: {  	[sflag:s16] =	ssyncset.done $0x0  }
0x21: {  	v4 =	vor.u32 $0x1E, v3;
	[sflag:s16] =	ssyncadd.s32 $0xFFFFC000  }
0x22: {  	v5 =	vld.idx.msk [tilespmem:v1+s13+$0x0], $0xffff  }
0x23: {  	v6 =	vor.u32 $0x18, v3;
	v7 =	vld.idx.msk [tilespmem:v1+s14+$0x0], $0xffff  }
0x24: {  	v8 =	vld.idx.msk [tilespmem:v2+s13+$0x0], $0xffff  }
0x25: {  	v9 =	vor.u32 $0x19, v3;
	v10 =	vld.idx.msk [tilespmem:v2+s14+$0x0], $0xffff  }
0x26: {  	v1 =	vld.idx.msk [tilespmem:v4+s13+$0x0], $0xffff  }
0x27: {  	v11 =	vor.u32 $0x1A, v3;
	v2 =	vld.idx.msk [tilespmem:v4+s14+$0x0], $0xffff  }
0x28: {  	v4 =	vld.idx.msk [tilespmem:v6+s13+$0x0], $0xffff  }
0x29: {  	v12 =	vor.u32 $0x14, v3;
	v6 =	vld.idx.msk [tilespmem:v6+s14+$0x0], $0xffff  }
0x2a: {  	v13 =	vld.idx.msk [tilespmem:v9+s13+$0x0], $0xffff  }
0x2b: {  	v14 =	vor.u32 $0x15, v3;
	v9 =	vld.idx.msk [tilespmem:v9+s14+$0x0], $0xffff  }
0x2c: {  	v15 =	vld.idx.msk [tilespmem:v11+s13+$0x0], $0xffff  }
0x2d: {  	v16 =	vor.u32 $0x16, v3;
	v11 =	vld.idx.msk [tilespmem:v11+s14+$0x0], $0xffff  }
0x2e: {  	v17 =	vld.idx.msk [tilespmem:v12+s13+$0x0], $0xffff  }
0x2f: {  	v18 =	vor.u32 $0x10, v3;
	v12 =	vld.idx.msk [tilespmem:v12+s14+$0x0], $0xffff  }
0x30: {  	v19 =	vld.idx.msk [tilespmem:v14+s13+$0x0], $0xffff  }
0x31: {  	v20 =	vor.u32 $0x11, v3;
	v14 =	vld.idx.msk [tilespmem:v14+s14+$0x0], $0xffff  }
0x32: {  	v21 =	vld.idx.msk [tilespmem:v16+s13+$0x0], $0xffff  }
0x33: {  	v22 =	vor.u32 $0x12, v3;
	v16 =	vld.idx.msk [tilespmem:v16+s14+$0x0], $0xffff  }
0x34: {  	v23 =	vld.idx.msk [tilespmem:v18+s13+$0x0], $0xffff  }
0x35: {  	v24 =	vor.u32 $0xC, v3;
	v18 =	vld.idx.msk [tilespmem:v18+s14+$0x0], $0xffff  }
0x36: {  	v25 =	vld.idx.msk [tilespmem:v20+s13+$0x0], $0xffff  }
0x37: {  	v26 =	vor.u32 $0xD, v3;
	v20 =	vld.idx.msk [tilespmem:v20+s14+$0x0], $0xffff  }
0x38: {  	v27 =	vld.idx.msk [tilespmem:v22+s13+$0x0], $0xffff  }
0x39: {  	v28 =	vor.u32 $0xE, v3;
	v22 =	vld.idx.msk [tilespmem:v22+s14+$0x0], $0xffff  }
0x3a: {  	v29 =	vld.idx.msk [tilespmem:v24+s13+$0x0], $0xffff  }
0x3b: {  	v30 =	vor.u32 $0x8, v3;
	v24 =	vld.idx.msk [tilespmem:v24+s14+$0x0], $0xffff  }
0x3c: {  	v31 =	vld.idx.msk [tilespmem:v26+s13+$0x0], $0xffff  }
0x3d: {  	v32 =	vor.u32 $0x9, v3;
	v26 =	vld.idx.msk [tilespmem:v26+s14+$0x0], $0xffff  }
0x3e: {  	v33 =	vld.idx.msk [tilespmem:v28+s13+$0x0], $0xffff  }
0x3f: {  	v34 =	vor.u32 $0xA, v3;
	v28 =	vld.idx.msk [tilespmem:v28+s14+$0x0], $0xffff  }
0x40: {  	v35 =	vld.idx.msk [tilespmem:v30+s13+$0x0], $0xffff  }
0x41: {  	v36 =	vor.u32 $0x4, v3;
	v30 =	vld.idx.msk [tilespmem:v30+s14+$0x0], $0xffff  }
0x42: {  	v37 =	vld.idx.msk [tilespmem:v32+s13+$0x0], $0xffff  }
0x43: {  	v38 =	vor.u32 $0x5, v3;
	v32 =	vld.idx.msk [tilespmem:v32+s14+$0x0], $0xffff  }
0x44: {  	v39 =	vld.idx.msk [tilespmem:v34+s13+$0x0], $0xffff  }
0x45: {  	v40 =	vor.u32 $0x6, v3;
	v34 =	vld.idx.msk [tilespmem:v34+s14+$0x0], $0xffff  }
0x46: {  	v41 =	vld.idx.msk [tilespmem:v36+s13+$0x0], $0xffff  }
0x47: {  	v36 =	vld.idx.msk [tilespmem:v36+s14+$0x0], $0xffff  }
0x48: {  	v42 =	vld.idx.msk [tilespmem:v38+s13+$0x0], $0xffff  }
0x49: {  	v43 =	vor.u32 $0x1, v3;
	v38 =	vld.idx.msk [tilespmem:v38+s14+$0x0], $0xffff  }
0x4a: {  	v44 =	vld.idx.msk [tilespmem:v40+s13+$0x0], $0xffff  }
0x4b: {  	v45 =	vor.u32 $0x2, v3;
	v40 =	vld.idx.msk [tilespmem:v40+s14+$0x0], $0xffff  }
0x4c: {  	v46 =	vld.idx.msk [tilespmem:v3+s14+$0x0], $0xffff  }
0x4d: {  	v48 =	vor.u32 $0x3, v3;
	v47 =	vld.idx.msk [tilespmem:v3+s13+$0x0], $0xffff  }
0x4e: {  	v49 =	vld.idx.msk [tilespmem:v43+s13+$0x0], $0xffff  }
0x4f: {  	v50 =	vor.u32 $0x7, v3;
	v43 =	vld.idx.msk [tilespmem:v43+s14+$0x0], $0xffff  }
0x50: {  	v51 =	vld.idx.msk [tilespmem:v45+s13+$0x0], $0xffff;
	v5 =	vmul.f32 v7, v5;
	v7 =	vmul.f32 v10, v8  }
0x51: {  	v8 =	vld.idx.msk [tilespmem:v45+s14+$0x0], $0xffff;
	v10 =	vor.u32 $0xB, v3;
	v4 =	vmul.f32 v6, v4;
	v6 =	vmul.f32 v9, v13  }
0x52: {  	v9 =	vld.idx.msk [tilespmem:v48+s13+$0x0], $0xffff;
	v12 =	vmul.f32 v12, v17;
	v13 =	vmul.f32 v14, v19  }
0x53: {  	v14 =	vld.idx.msk [tilespmem:v48+s14+$0x0], $0xffff;
	v17 =	vor.u32 $0xF, v3;
	v18 =	vmul.f32 v18, v23;
	v19 =	vmul.f32 v20, v25  }
0x54: {  	v20 =	vld.idx.msk [tilespmem:v50+s13+$0x0], $0xffff;
	v23 =	vmul.f32 v24, v29;
	v24 =	vmul.f32 v26, v31  }
0x55: {  	v25 =	vld.idx.msk [tilespmem:v50+s14+$0x0], $0xffff;
	v26 =	vor.u32 $0x13, v3;
	v29 =	vmul.f32 v30, v35;
	v30 =	vmul.f32 v32, v37  }
0x56: {  	v52 =	vor.u32 $0x1F, v3;
	v62 =	vmul.f32 v36, v41;
	v63 =	vmul.f32 v38, v42;
	v31 =	vld.idx.msk [tilespmem:v10+s13+$0x0], $0xffff  }
0x57: {  	v45 =	vor.u32 $0x17, v3;
	v48 =	vmul.f32 v46, v47;
	v50 =	vmul.f32 v43, v49;
	v10 =	vld.idx.msk [tilespmem:v10+s14+$0x0], $0xffff  }
0x58: {  	v3 =	vor.u32 $0x1B, v3;
	v53 =	vld.idx.msk [tilespmem:v17+s13+$0x0], $0xffff;
	v8 =	vmul.f32 v8, v51;
	v9 =	vmul.f32 v14, v9  }
0x59: {  	v55 =	vmul.f32 v40, v44;
	v54 =	vadd.f32 $0.0e+00, v50;
	v14 =	vld.idx.msk [tilespmem:v17+s14+$0x0], $0xffff;
	v17 =	vadd.f32 $0.0e+00, v48  }
0x5a: {  	v56 =	vld.idx.msk [tilespmem:v26+s13+$0x0], $0xffff;
	v20 =	vmul.f32 v25, v20;
	v8 =	vadd.f32 $0.0e+00, v8;
	v9 =	vadd.f32 $0.0e+00, v9  }
0x5b: {  	v57 =	vmul.f32 v34, v39;
	v25 =	vld.idx.msk [tilespmem:v26+s14+$0x0], $0xffff;
	v26 =	vadd.f32 v63, v54;
	v17 =	vadd.f32 v62, v17  }
0x5c: {  	v58 =	vld.idx.msk [tilespmem:v45+s13+$0x0], $0xffff;
	v8 =	vadd.f32 v55, v8;
	v9 =	vadd.f32 v20, v9;
	v10 =	vmul.f32 v10, v31  }
0x5d: {  	v28 =	vmul.f32 v28, v33;
	v26 =	vadd.f32 v30, v26;
	v20 =	vld.idx.msk [tilespmem:v45+s14+$0x0], $0xffff;
	v17 =	vadd.f32 v29, v17  }
0x5e: {  	v29 =	vld.idx.msk [tilespmem:v3+s13+$0x0], $0xffff;
	v8 =	vadd.f32 v57, v8;
	v9 =	vadd.f32 v10, v9;
	v10 =	vmul.f32 v14, v53  }
0x5f: {  	v22 =	vmul.f32 v22, v27;
	v3 =	vld.idx.msk [tilespmem:v3+s14+$0x0], $0xffff;
	v14 =	vadd.f32 v23, v17;
	v17 =	vadd.f32 v24, v26  }
0x60: {  	v23 =	vld.idx.msk [tilespmem:v52+s13+$0x0], $0xffff;
	v8 =	vadd.f32 v28, v8;
	v9 =	vadd.f32 v10, v9;
	v10 =	vmul.f32 v25, v56  }
0x61: {  	v16 =	vmul.f32 v16, v21;
	v24 =	vld.idx.msk [tilespmem:v52+s14+$0x0], $0xffff;
	v14 =	vadd.f32 v18, v14;
	v17 =	vadd.f32 v19, v17  }
0x62: {  	v8 =	vadd.f32 v22, v8;
	v9 =	vadd.f32 v10, v9;
	v10 =	vmul.f32 v20, v58  }
0x63: {  	v11 =	vmul.f32 v11, v15;
	v12 =	vadd.f32 v12, v14;
	v13 =	vadd.f32 v13, v17  }
0x64: {  	v3 =	vmul.f32 v3, v29;
	v8 =	vadd.f32 v16, v8;
	v9 =	vadd.f32 v10, v9  }
0x65: {  	v1 =	vmul.f32 v2, v1;
	v4 =	vadd.f32 v4, v12;
	v6 =	vadd.f32 v6, v13  }
0x66: {  	v2 =	vadd.f32 v11, v8;
	v8 =	vmul.f32 v24, v23;
	v3 =	vadd.f32 v3, v9  }
0x67: {  	v4 =	vadd.f32 v5, v4;
	v5 =	vadd.f32 v7, v6  }
0x68: {  	v2 =	vadd.f32 v1, v2;
	v3 =	vadd.f32 v8, v3  }
0x69: {  	v1 =	vld [tilespmem:$0x8600]  }
0x6a: {  	v4 =	vadd.f32 v5, v4;
	v3 =	vadd.f32 v3, v2  }
0x6b: {  	v2 =	vld [tilespmem:$0x8610]  }
0x6c: {  	v3 =	vadd.f32 v3, v4;
	_ =	sdelay $0x1  }
0x6d: {  	v3 =	vmul.f32 v3, v1;
	_ =	sdelay $0x1  }
0x6e: {  	v3 =	vadd.f32 v3, v2;
	_ =	sdelay $0x1  }
0x6f: {  	v3 =	vsub.f32 $0.0e+00, v3;
	_ =	sdelay $0x1  }
0x70: {  	v3 =	vmul.f32 $1.442695020e+00, v3;
	_ =	sdelay $0x1  }
0x71: {  	(erf) = vpow2.f32 v3;
	_ =	sdelay $0x8  }
0x72: {  	v3 =	vpop (erf)  }
0x73: {  	v3 =	vadd.f32 $1.000000000e+00, v3;
	_ =	sdelay $0x1  }
0x74: {  	(erf) = vrcp.f32 v3;
	_ =	sdelay $0x1  }
0x75: {  	s19 =	simm.s32 $0x10  }
0x76: {  	v3 =	vmov s19  }
0x77: {  	v3 =	vshll.u32 v3, $0x5  }
0x78: {  	v7 =	vor.u32 v0, v3  }
0x79: {  	v3 =	vor.u32 $0x1C, v7;
	_ =	sdelay $0x1  }
0x7a: {  	v4 =	vor.u32 $0x1D, v7  }
0x7b: {  	v5 =	vpop (erf)  }
0x7c: {  	v6 =	vor.u32 $0x1E, v7;
	[tilespmem:s17+$0x0] =	vst v5  }
0x7d: {  	v13 =	vld.idx.msk [tilespmem:v3+s13+$0x0], $0xffff  }
0x7e: {  	v8 =	vor.u32 $0x19, v7;
	v15 =	vld.idx.msk [tilespmem:v3+s14+$0x0], $0xffff  }
0x7f: {  	v16 =	vld.idx.msk [tilespmem:v4+s13+$0x0], $0xffff  }
0x80: {  	v9 =	vor.u32 $0x1A, v7;
	v17 =	vld.idx.msk [tilespmem:v4+s14+$0x0], $0xffff  }
0x81: {  	v10 =	vor.u32 $0x14, v7;
	v3 =	vld.idx.msk [tilespmem:v6+s13+$0x0], $0xffff  }
0x82: {  	v4 =	vld.idx.msk [tilespmem:v6+s14+$0x0], $0xffff  }
0x83: {  	v11 =	vor.u32 $0x15, v7;
	v20 =	vld.idx.msk [tilespmem:v8+s13+$0x0], $0xffff  }
0x84: {  	v21 =	vld.idx.msk [tilespmem:v8+s14+$0x0], $0xffff  }
0x85: {  	v12 =	vor.u32 $0x16, v7;
	v6 =	vld.idx.msk [tilespmem:v9+s14+$0x0], $0xffff  }
0x86: {  	v14 =	vor.u32 $0x10, v7;
	v22 =	vld.idx.msk [tilespmem:v10+s13+$0x0], $0xffff  }
0x87: {  	v23 =	vld.idx.msk [tilespmem:v10+s14+$0x0], $0xffff  }
0x88: {  	v27 =	vor.u32 $0x8, v7;
	v24 =	vld.idx.msk [tilespmem:v11+s13+$0x0], $0xffff  }
0x89: {  	v26 =	vld.idx.msk [tilespmem:v11+s14+$0x0], $0xffff  }
0x8a: {  	v59 =	vor.u32 $0x9, v7;
	v8 =	vld.idx.msk [tilespmem:v12+s13+$0x0], $0xffff  }
0x8b: {  	v28 =	vld.idx.msk [tilespmem:v14+s13+$0x0], $0xffff  }
0x8c: {  	v60 =	vor.u32 $0xA, v7;
	v29 =	vld.idx.msk [tilespmem:v14+s14+$0x0], $0xffff  }
0x8d: {  	v61 =	vor.u32 $0x4, v7;
	v37 =	vld.idx.msk [tilespmem:v27+s13+$0x0], $0xffff  }
0x8e: {  	v38 =	vld.idx.msk [tilespmem:v27+s14+$0x0], $0xffff  }
0x8f: {  	v62 =	vor.u32 $0x5, v7;
	v40 =	vld.idx.msk [tilespmem:v59+s13+$0x0], $0xffff  }
0x90: {  	v41 =	vld.idx.msk [tilespmem:v59+s14+$0x0], $0xffff  }
0x91: {  	v63 =	vor.u32 $0x6, v7;
	v27 =	vld.idx.msk [tilespmem:v60+s14+$0x0], $0xffff  }
0x92: {  	v42 =	vld.idx.msk [tilespmem:v61+s13+$0x0], $0xffff  }
0x93: {  	v5 =	vor.u32 $0x18, v7;
	v43 =	vld.idx.msk [tilespmem:v61+s14+$0x0], $0xffff  }
0x94: {  	v44 =	vld.idx.msk [tilespmem:v62+s13+$0x0], $0xffff  }
0x95: {  	v45 =	vld.idx.msk [tilespmem:v62+s14+$0x0], $0xffff  }
0x96: {  	v36 =	vld.idx.msk [tilespmem:v63+s13+$0x0], $0xffff  }
0x97: {  	v10 =	vor.u32 $0x11, v7;
	v39 =	vld.idx.msk [tilespmem:v63+s14+$0x0], $0xffff  }
0x98: {  	v18 =	vld.idx.msk [tilespmem:v5+s13+$0x0], $0xffff  }
0x99: {  	v11 =	vor.u32 $0x12, v7;
	v19 =	vld.idx.msk [tilespmem:v5+s14+$0x0], $0xffff  }
0x9a: {  	v5 =	vld.idx.msk [tilespmem:v9+s13+$0x0], $0xffff  }
0x9b: {  	v14 =	vor.u32 $0xD, v7;
	v9 =	vld.idx.msk [tilespmem:v12+s14+$0x0], $0xffff  }
0x9c: {  	v30 =	vld.idx.msk [tilespmem:v10+s13+$0x0], $0xffff  }
0x9d: {  	v25 =	vor.u32 $0xE, v7;
	v31 =	vld.idx.msk [tilespmem:v10+s14+$0x0], $0xffff  }
0x9e: {  	v12 =	vor.u32 $0xC, v7;
	v10 =	vld.idx.msk [tilespmem:v11+s13+$0x0], $0xffff  }
0x9f: {  	v11 =	vld.idx.msk [tilespmem:v11+s14+$0x0], $0xffff  }
0xa0: {  	v34 =	vld.idx.msk [tilespmem:v14+s13+$0x0], $0xffff  }
0xa1: {  	v35 =	vld.idx.msk [tilespmem:v14+s14+$0x0], $0xffff  }
0xa2: {  	v14 =	vld.idx.msk [tilespmem:v25+s14+$0x0], $0xffff  }
0xa3: {  	v32 =	vld.idx.msk [tilespmem:v12+s13+$0x0], $0xffff  }
0xa4: {  	v47 =	vor.u32 $0x1, v7;
	v33 =	vld.idx.msk [tilespmem:v12+s14+$0x0], $0xffff  }
0xa5: {  	v12 =	vld.idx.msk [tilespmem:v25+s13+$0x0], $0xffff  }
0xa6: {  	s20 =	simm.s32 $0x20;
	s19 =	simm.s32 $0x8400;
	v46 =	vor.u32 $0x2, v7;
	v25 =	vld.idx.msk [tilespmem:v60+s13+$0x0], $0xffff  }
.LBB2_2:
0xa7: {  	p0 =	sne.s32 s20, $0x1F0;
	v48 =	vld.idx.msk [tilespmem:v7+s14+$0x0], $0xffff  }
0xa8: {  	v50 =	vor.u32 $0x3, v7;
	v49 =	vld.idx.msk [tilespmem:v7+s13+$0x0], $0xffff  }
0xa9: {  	v51 =	vld.idx.msk [tilespmem:v47+s13+$0x0], $0xffff  }
0xaa: {  	v52 =	vor.u32 $0x7, v7;
	v47 =	vld.idx.msk [tilespmem:v47+s14+$0x0], $0xffff  }
0xab: {  	v53 =	vld.idx.msk [tilespmem:v46+s13+$0x0], $0xffff  }
0xac: {  	v54 =	vor.u32 $0xB, v7;
	v13 =	vmul.f32 v15, v13;
	v15 =	vmul.f32 v17, v16;
	v46 =	vld.idx.msk [tilespmem:v46+s14+$0x0], $0xffff  }
0xad: {  	v17 =	vmul.f32 v19, v18;
	v18 =	vmul.f32 v21, v20;
	v16 =	vld.idx.msk [tilespmem:v50+s13+$0x0], $0xffff  }
0xae: {  	v20 =	vor.u32 $0xF, v7;
	v21 =	vmul.f32 v23, v22;
	v22 =	vmul.f32 v26, v24;
	v19 =	vld.idx.msk [tilespmem:v50+s14+$0x0], $0xffff  }
0xaf: {  	v24 =	vmul.f32 v29, v28;
	v26 =	vmul.f32 v31, v30;
	v23 =	vld.idx.msk [tilespmem:v52+s13+$0x0], $0xffff  }
0xb0: {  	v29 =	vmul.f32 v33, v32;
	v30 =	vmul.f32 v35, v34;
	v31 =	vor.u32 $0x13, v7;
	v28 =	vld.idx.msk [tilespmem:v52+s14+$0x0], $0xffff  }
0xb1: {  	v32 =	vmul.f32 v38, v37;
	v33 =	vmul.f32 v41, v40;
	v34 =	vld.idx.msk [tilespmem:v54+s13+$0x0], $0xffff  }
0xb2: {  	v35 =	vmul.f32 v43, v42;
	v40 =	vor.u32 $0x17, v7;
	v37 =	vmul.f32 v45, v44;
	v38 =	vld.idx.msk [tilespmem:v54+s14+$0x0], $0xffff  }
0xb3: {  	v44 =	vor.u32 $0x1F, v7;
	v41 =	vmul.f32 v48, v49;
	v42 =	vmul.f32 v47, v51;
	v43 =	vld.idx.msk [tilespmem:v20+s13+$0x0], $0xffff  }
0xb4: {  	v7 =	vor.u32 $0x1B, v7;
	v45 =	vmul.f32 v46, v53;
	v16 =	vmul.f32 v19, v16;
	v19 =	vld.idx.msk [tilespmem:v20+s14+$0x0], $0xffff  }
0xb5: {  	v36 =	vmul.f32 v39, v36;
	v20 =	vadd.f32 $0.0e+00, v41;
	v41 =	vadd.f32 $0.0e+00, v42;
	v39 =	vld.idx.msk [tilespmem:v31+s13+$0x0], $0xffff  }
0xb6: {  	v42 =	vadd.f32 $0.0e+00, v45;
	v16 =	vadd.f32 $0.0e+00, v16;
	v23 =	vmul.f32 v28, v23;
	v28 =	vld.idx.msk [tilespmem:v31+s14+$0x0], $0xffff  }
0xb7: {  	v25 =	vmul.f32 v27, v25;
	v20 =	vadd.f32 v35, v20;
	v31 =	vadd.f32 v37, v41;
	v27 =	vld.idx.msk [tilespmem:v40+s13+$0x0], $0xffff  }
0xb8: {  	v35 =	vadd.f32 v36, v42;
	v16 =	vadd.f32 v23, v16;
	v23 =	vmul.f32 v38, v34;
	v34 =	vld.idx.msk [tilespmem:v40+s14+$0x0], $0xffff  }
0xb9: {  	v12 =	vmul.f32 v14, v12;
	v20 =	vadd.f32 v32, v20;
	v31 =	vadd.f32 v33, v31;
	v14 =	vld.idx.msk [tilespmem:v7+s13+$0x0], $0xffff  }
0xba: {  	v25 =	vadd.f32 v25, v35;
	v16 =	vadd.f32 v23, v16;
	v19 =	vmul.f32 v19, v43;
	v7 =	vld.idx.msk [tilespmem:v7+s14+$0x0], $0xffff  }
0xbb: {  	v10 =	vmul.f32 v11, v10;
	v20 =	vadd.f32 v29, v20;
	v23 =	vadd.f32 v30, v31;
	v11 =	vld.idx.msk [tilespmem:v44+s13+$0x0], $0xffff  }
0xbc: {  	v12 =	vadd.f32 v12, v25;
	v16 =	vadd.f32 v19, v16;
	v19 =	vmul.f32 v28, v39;
	v25 =	vld.idx.msk [tilespmem:v44+s14+$0x0], $0xffff  }
0xbd: {  	v8 =	vmul.f32 v9, v8;
	v20 =	vadd.f32 v24, v20;
	v23 =	vadd.f32 v26, v23  }
0xbe: {  	v9 =	vadd.f32 v10, v12;
	v10 =	vadd.f32 v19, v16;
	v12 =	vmul.f32 v34, v27  }
0xbf: {  	v5 =	vmul.f32 v6, v5;
	v16 =	vadd.f32 v21, v20;
	v19 =	vadd.f32 v22, v23  }
0xc0: {  	v6 =	vadd.f32 v8, v9;
	v8 =	vadd.f32 v12, v10;
	v7 =	vmul.f32 v7, v14  }
0xc1: {  	v3 =	vmul.f32 v4, v3;
	v9 =	vadd.f32 v17, v16;
	v10 =	vadd.f32 v18, v19  }
0xc2: {  	v4 =	vadd.f32 v5, v6;
	v5 =	vadd.f32 v7, v8;
	v6 =	vmul.f32 v25, v11  }
0xc3: {  	v7 =	vadd.f32 v13, v9;
	v8 =	vadd.f32 v15, v10  }
0xc4: {  	v3 =	vadd.f32 v3, v4;
	v4 =	vadd.f32 v6, v5;
	_ =	sdelay $0x1  }
0xc5: {  	v5 =	vadd.f32 v8, v7;
	v3 =	vadd.f32 v4, v3;
	_ =	sdelay $0x1  }
0xc6: {  	v3 =	vadd.f32 v3, v5;
	_ =	sdelay $0x1  }
0xc7: {  	v3 =	vmul.f32 v3, v1;
	_ =	sdelay $0x1  }
0xc8: {  	v3 =	vadd.f32 v3, v2;
	_ =	sdelay $0x1  }
0xc9: {  	v3 =	vsub.f32 $0.0e+00, v3;
	_ =	sdelay $0x1  }
0xca: {  	v3 =	vmul.f32 $1.442695020e+00, v3;
	_ =	sdelay $0x1  }
0xcb: {  	(erf) = vpow2.f32 v3;
	_ =	sdelay $0x8  }
0xcc: {  	v3 =	vpop (erf)  }
0xcd: {  	v3 =	vadd.f32 $1.000000000e+00, v3;
	_ =	sdelay $0x1  }
0xce: {  	(erf) = vrcp.f32 v3;
	_ =	sdelay $0x2  }
0xcf: {  	v3 =	vmov s20  }
0xd0: {  	v3 =	vshll.u32 v3, $0x5  }
0xd1: {  	v7 =	vor.u32 v0, v3  }
0xd2: {  	v3 =	vor.u32 $0x1C, v7;
	_ =	sdelay $0x1  }
0xd3: {  	v4 =	vor.u32 $0x1D, v7  }
0xd4: {  	s19 =	sadd.s32 $0x10, s19;
	v5 =	vpop (erf)  }
0xd5: {  	v6 =	vor.u32 $0x1E, v7;
	[tilespmem:s19+$0x0] =	vst v5  }
0xd6: {  	v13 =	vld.idx.msk [tilespmem:v3+s13+$0x0], $0xffff  }
0xd7: {  	v5 =	vor.u32 $0x18, v7;
	v15 =	vld.idx.msk [tilespmem:v3+s14+$0x0], $0xffff  }
0xd8: {  	v16 =	vld.idx.msk [tilespmem:v4+s13+$0x0], $0xffff  }
0xd9: {  	v8 =	vor.u32 $0x19, v7;
	v17 =	vld.idx.msk [tilespmem:v4+s14+$0x0], $0xffff  }
0xda: {  	v3 =	vld.idx.msk [tilespmem:v6+s13+$0x0], $0xffff  }
0xdb: {  	v9 =	vor.u32 $0x1A, v7;
	v4 =	vld.idx.msk [tilespmem:v6+s14+$0x0], $0xffff  }
0xdc: {  	v18 =	vld.idx.msk [tilespmem:v5+s13+$0x0], $0xffff  }
0xdd: {  	v10 =	vor.u32 $0x14, v7;
	v19 =	vld.idx.msk [tilespmem:v5+s14+$0x0], $0xffff  }
0xde: {  	v20 =	vld.idx.msk [tilespmem:v8+s13+$0x0], $0xffff  }
0xdf: {  	v11 =	vor.u32 $0x15, v7;
	v21 =	vld.idx.msk [tilespmem:v8+s14+$0x0], $0xffff  }
0xe0: {  	v5 =	vld.idx.msk [tilespmem:v9+s13+$0x0], $0xffff  }
0xe1: {  	v12 =	vor.u32 $0x16, v7;
	v6 =	vld.idx.msk [tilespmem:v9+s14+$0x0], $0xffff  }
0xe2: {  	v22 =	vld.idx.msk [tilespmem:v10+s13+$0x0], $0xffff  }
0xe3: {  	v14 =	vor.u32 $0x10, v7;
	v23 =	vld.idx.msk [tilespmem:v10+s14+$0x0], $0xffff  }
0xe4: {  	v24 =	vld.idx.msk [tilespmem:v11+s13+$0x0], $0xffff  }
0xe5: {  	v10 =	vor.u32 $0x11, v7;
	v26 =	vld.idx.msk [tilespmem:v11+s14+$0x0], $0xffff  }
0xe6: {  	v8 =	vld.idx.msk [tilespmem:v12+s13+$0x0], $0xffff  }
0xe7: {  	v11 =	vor.u32 $0x12, v7;
	v9 =	vld.idx.msk [tilespmem:v12+s14+$0x0], $0xffff  }
0xe8: {  	v28 =	vld.idx.msk [tilespmem:v14+s13+$0x0], $0xffff  }
0xe9: {  	v12 =	vor.u32 $0xC, v7;
	v29 =	vld.idx.msk [tilespmem:v14+s14+$0x0], $0xffff  }
0xea: {  	v30 =	vld.idx.msk [tilespmem:v10+s13+$0x0], $0xffff  }
0xeb: {  	v14 =	vor.u32 $0xD, v7;
	v31 =	vld.idx.msk [tilespmem:v10+s14+$0x0], $0xffff  }
0xec: {  	v10 =	vld.idx.msk [tilespmem:v11+s13+$0x0], $0xffff  }
0xed: {  	v25 =	vor.u32 $0xE, v7;
	v11 =	vld.idx.msk [tilespmem:v11+s14+$0x0], $0xffff  }
0xee: {  	v32 =	vld.idx.msk [tilespmem:v12+s13+$0x0], $0xffff  }
0xef: {  	v27 =	vor.u32 $0x8, v7;
	v33 =	vld.idx.msk [tilespmem:v12+s14+$0x0], $0xffff  }
0xf0: {  	v34 =	vld.idx.msk [tilespmem:v14+s13+$0x0], $0xffff  }
0xf1: {  	v36 =	vor.u32 $0x9, v7;
	v35 =	vld.idx.msk [tilespmem:v14+s14+$0x0], $0xffff  }
0xf2: {  	v12 =	vld.idx.msk [tilespmem:v25+s13+$0x0], $0xffff  }
0xf3: {  	v39 =	vor.u32 $0xA, v7;
	v14 =	vld.idx.msk [tilespmem:v25+s14+$0x0], $0xffff  }
0xf4: {  	v37 =	vld.idx.msk [tilespmem:v27+s13+$0x0], $0xffff  }
0xf5: {  	v43 =	vor.u32 $0x4, v7;
	v38 =	vld.idx.msk [tilespmem:v27+s14+$0x0], $0xffff  }
0xf6: {  	v40 =	vld.idx.msk [tilespmem:v36+s13+$0x0], $0xffff  }
0xf7: {  	v45 =	vor.u32 $0x5, v7;
	v41 =	vld.idx.msk [tilespmem:v36+s14+$0x0], $0xffff  }
0xf8: {  	v25 =	vld.idx.msk [tilespmem:v39+s13+$0x0], $0xffff  }
0xf9: {  	v48 =	vor.u32 $0x6, v7;
	v27 =	vld.idx.msk [tilespmem:v39+s14+$0x0], $0xffff  }
0xfa: {  	v42 =	vld.idx.msk [tilespmem:v43+s13+$0x0], $0xffff  }
.Ltmp0:
0xfb: {  	v43 =	vld.idx.msk [tilespmem:v43+s14+$0x0], $0xffff;
	(pc) =	sbr.rel @p0 .LBB2_2-.Ltmp0, $4  }
0xfc: {  	v44 =	vld.idx.msk [tilespmem:v45+s13+$0x0], $0xffff  }
0xfd: {  	v47 =	vor.u32 $0x1, v7;
	v45 =	vld.idx.msk [tilespmem:v45+s14+$0x0], $0xffff  }
0xfe: {  	v36 =	vld.idx.msk [tilespmem:v48+s13+$0x0], $0xffff  }
0xff: {  	s20 =	sadd.s32 $0x10, s20;
	v46 =	vor.u32 $0x2, v7;
	v39 =	vld.idx.msk [tilespmem:v48+s14+$0x0], $0xffff  }
0x100: {  	_ =	sdelay $0x3  }
0x101: {  	v48 =	vld.idx.msk [tilespmem:v7+s14+$0x0], $0xffff  }
0x102: {  	v49 =	vld.idx.msk [tilespmem:v7+s13+$0x0], $0xffff;
	v50 =	vor.u32 $0x3, v7  }
0x103: {  	v51 =	vld.idx.msk [tilespmem:v47+s13+$0x0], $0xffff  }
0x104: {  	v47 =	vld.idx.msk [tilespmem:v47+s14+$0x0], $0xffff;
	v52 =	vor.u32 $0x7, v7;
	v13 =	vmul.f32 v15, v13  }
0x105: {  	v53 =	vld.idx.msk [tilespmem:v46+s13+$0x0], $0xffff;
	v15 =	vmul.f32 v17, v16;
	v18 =	vmul.f32 v19, v18  }
0x106: {  	v56 =	vld.idx.msk [tilespmem:v46+s14+$0x0], $0xffff;
	v57 =	vor.u32 $0xB, v7;
	v19 =	vmul.f32 v21, v20;
	v21 =	vmul.f32 v23, v22  }
0x107: {  	v22 =	vmul.f32 v26, v24;
	v26 =	vmul.f32 v29, v28;
	v58 =	vld.idx.msk [tilespmem:v50+s13+$0x0], $0xffff  }
0x108: {  	v60 =	vor.u32 $0xF, v7;
	v28 =	vmul.f32 v31, v30;
	v30 =	vmul.f32 v33, v32;
	v59 =	vld.idx.msk [tilespmem:v50+s14+$0x0], $0xffff  }
0x109: {  	v31 =	vmul.f32 v35, v34;
	v34 =	vmul.f32 v38, v37;
	v29 =	vld.idx.msk [tilespmem:v52+s13+$0x0], $0xffff  }
0x10a: {  	v61 =	vor.u32 $0x13, v7;
	v35 =	vmul.f32 v41, v40;
	v62 =	vmul.f32 v43, v42;
	v32 =	vld.idx.msk [tilespmem:v52+s14+$0x0], $0xffff  }
0x10b: {  	v63 =	vmul.f32 v45, v44;
	v36 =	vmul.f32 v39, v36;
	v37 =	vld.idx.msk [tilespmem:v57+s13+$0x0], $0xffff  }
0x10c: {  	v41 =	vor.u32 $0x17, v7;
	v17 =	vld.idx.msk [tilespmem:v57+s14+$0x0], $0xffff;
	v50 =	vmul.f32 v48, v49;
	v16 =	vmul.f32 v56, v53  }
0x10d: {  	v54 =	vor.u32 $0x1F, v7;
	v52 =	vmul.f32 v47, v51;
	v55 =	vld.idx.msk [tilespmem:v60+s13+$0x0], $0xffff;
	v20 =	vmul.f32 v59, v58  }
0x10e: {  	v56 =	vor.u32 $0x1B, v7;
	v57 =	vld.idx.msk [tilespmem:v60+s14+$0x0], $0xffff;
	v16 =	vadd.f32 $0.0e+00, v16;
	v58 =	vadd.f32 $0.0e+00, v50  }
0x10f: {  	v60 =	vld.idx.msk [tilespmem:v61+s13+$0x0], $0xffff;
	v59 =	vadd.f32 $0.0e+00, v52;
	v29 =	vmul.f32 v32, v29;
	v20 =	vadd.f32 $0.0e+00, v20  }
0x110: {  	v25 =	vmul.f32 v27, v25;
	v61 =	vld.idx.msk [tilespmem:v61+s14+$0x0], $0xffff;
	v16 =	vadd.f32 v36, v16;
	v24 =	vadd.f32 v62, v58  }
0x111: {  	v17 =	vmul.f32 v17, v37;
	v37 =	vld.idx.msk [tilespmem:v41+s14+$0x0], $0xffff;
	v62 =	vadd.f32 v63, v59;
	v20 =	vadd.f32 v29, v20  }
0x112: {  	v12 =	vmul.f32 v14, v12;
	v16 =	vadd.f32 v25, v16;
	v63 =	vld.idx.msk [tilespmem:v41+s13+$0x0], $0xffff;
	v24 =	vadd.f32 v34, v24  }
0x113: {  	v38 =	vld.idx.msk [tilespmem:v56+s13+$0x0], $0xffff;
	v40 =	vmul.f32 v57, v55;
	v33 =	vadd.f32 v35, v62;
	v17 =	vadd.f32 v17, v20  }
0x114: {  	v10 =	vmul.f32 v11, v10;
	v7 =	vld.idx.msk [tilespmem:v56+s14+$0x0], $0xffff;
	v12 =	vadd.f32 v12, v16;
	v41 =	vadd.f32 v30, v24  }
0x115: {  	v43 =	vld.idx.msk [tilespmem:v54+s13+$0x0], $0xffff;
	v46 =	vmul.f32 v61, v60;
	v42 =	vadd.f32 v31, v33;
	v45 =	vadd.f32 v40, v17  }
0x116: {  	v8 =	vmul.f32 v9, v8;
	v47 =	vld.idx.msk [tilespmem:v54+s14+$0x0], $0xffff;
	v48 =	vadd.f32 v10, v12;
	v23 =	vadd.f32 v26, v41  }
0x117: {  	v50 =	vmul.f32 v37, v63;
	v24 =	vadd.f32 v28, v42;
	v49 =	vadd.f32 v46, v45  }
0x118: {  	v5 =	vmul.f32 v6, v5;
	v53 =	vadd.f32 v8, v48;
	v51 =	vadd.f32 v21, v23  }
0x119: {  	v7 =	vmul.f32 v7, v38;
	v52 =	vadd.f32 v22, v24;
	v54 =	vadd.f32 v50, v49  }
0x11a: {  	v3 =	vmul.f32 v4, v3;
	v57 =	vadd.f32 v5, v53;
	v55 =	vadd.f32 v18, v51  }
0x11b: {  	v59 =	vmul.f32 v47, v43;
	v56 =	vadd.f32 v19, v52;
	v58 =	vadd.f32 v7, v54  }
0x11c: {  	v3 =	vadd.f32 v3, v57;
	v60 =	vadd.f32 v13, v55  }
0x11d: {  	v61 =	vadd.f32 v15, v56;
	v62 =	vadd.f32 v59, v58;
	_ =	sdelay $0x1  }
0x11e: {  	v63 =	vadd.f32 v61, v60;
	v3 =	vadd.f32 v62, v3;
	_ =	sdelay $0x1  }
0x11f: {  	v3 =	vadd.f32 v3, v63;
	_ =	sdelay $0x1  }
0x120: {  	v1 =	vmul.f32 v3, v1;
	_ =	sdelay $0x1  }
0x121: {  	v1 =	vadd.f32 v1, v2;
	_ =	sdelay $0x1  }
0x122: {  	v1 =	vsub.f32 $0.0e+00, v1;
	_ =	sdelay $0x1  }
0x123: {  	v1 =	vmul.f32 $1.442695020e+00, v1;
	_ =	sdelay $0x1  }
0x124: {  	(erf) = vpow2.f32 v1;
	_ =	sdelay $0x8  }
0x125: {  	v1 =	vpop (erf)  }
0x126: {  	v1 =	vadd.f32 $1.000000000e+00, v1;
	_ =	sdelay $0x1  }
0x127: {  	(erf) = vrcp.f32 v1;
	_ =	sdelay $0x7  }
0x128: {  	s18 =	sadd.s32 $0x1, s18  }
0x129: {  	s19 =	sadd.s32 $0x10, s19;
	p0 =	sne.s32 s18, s9;
	v1 =	vpop (erf)  }
.Ltmp1:
0x12a: {  	[tilespmem:s19+$0x0] =	vst v1;
	(pc) =	sbr.rel @p0 .LBB2_1-.Ltmp1, $4  }
0x12b: {  	[hbm4b:s8+s2] =	stream.linear.scatter [tilespmem:s17], [sflag:$0x3], $0x200, $0x38;
	[tilespmem:$0x8620] =	vst v63  }
0x12c: {  	_ =	swait.ge [sflag:s10], $0x200  }
0x12d: {  	[sflag:s10] =	ssyncset.done $0x0  }
0x12e: {  	[sflag:s10] =	ssyncadd.s32 $0xFFFFFE00  }
0x12f: {  	_ =	sfence.sel $0x180000  }
0x130: {  	[bflag:$0x0] =	sbarrier.arrive $0xFFFF  }
0x131: {  	p0 =	sne.s32 s1, $0x0;
	_ =	strace $0x90000047  }
0x132: {  	s0 =	sadd.s32 @!p0 $0x100000, s0;
	[bflag:$0x2] =	sbarrier.arrive $0xFFFF  }
0x133: {  	[sflag:s0] =	ssyncadd.tile.s32 @!p0 $0x1;
	_ =	shalt  }
.Lfunc_end2:
_tile_overlayer_lowered:
.L_overlay_start_2:
0x134: {  	(tag) =	ssettag $0x2  }
0x135: {  	s0 =	rddreg [dreg:$0x0];
	s2 =	stileid.u32  }
0x136: {  	s1 =	rddreg [dreg:$0x1];
	p0 =	sne.s32 s2, $0x0  }
0x137: {  	s3 =	rddreg [dreg:$0x2];
	[bflag:$0x3] =	sbarrier.arrive $0xFFFF;
	s2 =	simm.s32 @!p0 $0x1C03  }
0x138: {  	[timem:s3], [sflag:s2] =	dma.local @!p0 [hbm:s0], s1  }
0x139: {  	s0 =	simm.s32 @!p0 $0x3  }
0x13a: {  	_ =	swait.ge @!p0 [sflag:s0], s1  }
0x13b: {  	s1 =	ssub.s32 @!p0 $0x0, s1;
	[sflag:s0] =	ssyncset.done @!p0 $0x0  }
0x13c: {  	[sflag:s0] =	ssyncadd.s32 @!p0 s1  }
0x13d: {  	[bflag:$0x3] =	sbarrier.arrive $0xFFFF  }
0x13e: {  	_ =	shalt  }

</sc_bundles>
